<compile_context>
chip_gen: v7x
topology: tpu7x:2x2x1
jax: 0.10.2.dev20260603
libtpu: 0.0.44.dev20260713+nightly
codegen_flags: <defaults>
</compile_context>

<pallas_src>
import jax
import jax.numpy as jnp
from jax import lax
from jax.experimental import pallas as pl
from jax.experimental.pallas import tpu as pltpu
from jax.experimental.pallas import tpu_sc as plsc

VOCAB = 100000
HIDDEN = 768
MAX_POS = 2048
BATCH = 4
SEQ = 2048
EPS = 1e-12

NC = 2
NS = 16
NW = NC * NS
TOK = BATCH * SEQ
NSL = 1
TOKS = TOK // NSL
TW = TOKS // NW
CR = 64
NCH = TW // CR
NBUF = 2


def _sc_body(word_hbm, ids_hbm, gath_hbm, idx_v, rows, gsem, wsem):
    c_ax = lax.axis_index("c")
    s_ax = lax.axis_index("s")
    wid = s_ax * NC + c_ax
    base = wid * TW

    pltpu.sync_copy(ids_hbm.at[wid], idx_v)

    def gather(c):
        return pltpu.async_copy(
            word_hbm.at[idx_v.at[c]], rows.at[c % NBUF], gsem.at[c % NBUF])

    def writeout(c):
        return pltpu.async_copy(
            rows.at[c % NBUF],
            gath_hbm.at[pl.ds(base + c * CR, CR)], wsem.at[c % NBUF])

    g = {0: gather(0), 1: gather(1)}
    w = {}
    for c in range(NCH):
        g[c].wait()
        w[c] = writeout(c)
        if c + NBUF < NCH:
            w[c].wait()
            g[c + NBUF] = gather(c + NBUF)
    for c in range(NCH - NBUF, NCH):
        w[c].wait()


@jax.jit
def _sc_gather(word_emb, ids_r):
    mesh = plsc.VectorSubcoreMesh(
        core_axis_name="c", subcore_axis_name="s",
        num_cores=NC, num_subcores=NS)
    return pl.kernel(
        _sc_body,
        out_type=jax.ShapeDtypeStruct((TOKS, HIDDEN), jnp.float32),
        mesh=mesh,
        scratch_types=[
            pltpu.VMEM((NCH, CR), jnp.int32),
            pltpu.VMEM((NBUF, CR, HIDDEN), jnp.float32),
            pltpu.SemaphoreType.DMA((NBUF,)),
            pltpu.SemaphoreType.DMA((NBUF,)),
        ],
    )(word_emb, ids_r)


RB = SEQ
NSTEP = TOKS // RB


def _tc_body(gath_ref, pos_ref, ttf_ref, typ_ref, lnw_ref, lnb_ref, out_ref):
    x = gath_ref[...]
    t0 = typ_ref[0, :]
    tdiff = typ_ref[1, :] - t0
    ttf = ttf_ref[0, 0, :]
    x = x + pos_ref[...] + t0[None, :] + ttf[:, None] * tdiff[None, :]
    s1 = jnp.sum(x, axis=-1, keepdims=True)
    s2 = jnp.sum(x * x, axis=-1, keepdims=True)
    mean = s1 * (1.0 / HIDDEN)
    var = s2 * (1.0 / HIDDEN) - mean * mean
    r = lax.rsqrt(var + EPS)
    out_ref[...] = ((x - mean) * r) * lnw_ref[0, :][None, :] \
        + lnb_ref[0, :][None, :]


@jax.jit
def _tc_add_ln(gathered, pos_emb, ttf, type_emb, lnw2, lnb2):
    return pl.pallas_call(
        _tc_body,
        grid=(NSTEP,),
        in_specs=[
            pl.BlockSpec((RB, HIDDEN), lambda i: (i, 0)),
            pl.BlockSpec((RB, HIDDEN), lambda i: (0, 0)),
            pl.BlockSpec((1, 1, RB), lambda i: (i, 0, 0)),
            pl.BlockSpec((2, HIDDEN), lambda i: (0, 0)),
            pl.BlockSpec((1, HIDDEN), lambda i: (0, 0)),
            pl.BlockSpec((1, HIDDEN), lambda i: (0, 0)),
        ],
        out_specs=pl.BlockSpec((RB, HIDDEN), lambda i: (i, 0)),
        out_shape=jax.ShapeDtypeStruct((TOKS, HIDDEN), jnp.float32),
    )(gathered, pos_emb, ttf, type_emb, lnw2, lnb2)


def kernel(input_ids, token_type_ids, word_emb, pos_emb, type_emb,
           ln_weight, ln_bias):
    ids_s = input_ids.astype(jnp.int32).reshape(NSL, NW, NCH, CR)
    ttf_s = token_type_ids.astype(jnp.float32).reshape(NSL, NSTEP, 1, RB)
    lnw2 = ln_weight.reshape(1, HIDDEN)
    lnb2 = ln_bias.reshape(1, HIDDEN)
    gath = [_sc_gather(word_emb, ids_s[k]) for k in range(NSL)]
    outs = [_tc_add_ln(gath[k], pos_emb, ttf_s[k], type_emb, lnw2, lnb2)
            for k in range(NSL)]
    out = jnp.concatenate(outs, axis=0)
    return out.reshape(BATCH, SEQ, HIDDEN)

# --- scband reference (transcript-rebuilt; emitter-appended) ---
"""Pipeline reference for scband-bert-embeddings-70927089926795 (READ-ONLY COPY).

The authoritative reference and input builder live on the scoring server;
editing this copy changes nothing except your own understanding.
"""

import jax, jax.numpy as jnp
import numpy as np

VOCAB = 100000
HIDDEN = 768
MAX_POS = 2048
TYPE_VOCAB = 2
BATCH = 4
SEQ = 2048
EPS = 1e-12


def setup_inputs(seed: int = 0) -> dict:
    key = jax.random.key(seed)
    k1, k2, k3, k4, k5 = jax.random.split(key, 5)
    input_ids = jax.random.randint(k1, (BATCH, SEQ), 0, VOCAB, dtype=jnp.int64 if jax.config.jax_enable_x64 else jnp.int32)
    token_type_ids = jax.random.randint(k2, (BATCH, SEQ), 0, TYPE_VOCAB, dtype=jnp.int64 if jax.config.jax_enable_x64 else jnp.int32)
    word_emb = jax.random.normal(k3, (VOCAB, HIDDEN), dtype=jnp.float32) * 0.02
    # padding_idx=0 row zeroed, matching nn.Embedding(padding_idx=0) init
    word_emb = word_emb.at[0].set(0.0)
    pos_emb = jax.random.normal(k4, (MAX_POS, HIDDEN), dtype=jnp.float32) * 0.02
    type_emb = jax.random.normal(k5, (TYPE_VOCAB, HIDDEN), dtype=jnp.float32) * 0.02
    ln_weight = jnp.ones((HIDDEN,), dtype=jnp.float32)
    ln_bias = jnp.zeros((HIDDEN,), dtype=jnp.float32)
    return {
        "input_ids": input_ids,
        "token_type_ids": token_type_ids,
        "word_emb": word_emb,
        "pos_emb": pos_emb,
        "type_emb": type_emb,
        "ln_weight": ln_weight,
        "ln_bias": ln_bias,
    }


def reference(input_ids, token_type_ids, word_emb, pos_emb, type_emb, ln_weight, ln_bias):
    seq_length = input_ids.shape[1]
    position_ids = jnp.arange(seq_length, dtype=input_ids.dtype)
    position_ids = jnp.broadcast_to(position_ids[None, :], input_ids.shape)
    words_embeddings = jnp.take(word_emb, input_ids, axis=0)
    position_embeddings = jnp.take(pos_emb, position_ids, axis=0)
    token_type_embeddings = jnp.take(type_emb, token_type_ids, axis=0)
    embeddings = words_embeddings + position_embeddings + token_type_embeddings
    # BertLayerNorm (norm=True path)
    mean = jnp.mean(embeddings, axis=-1, keepdims=True)
    variance = jnp.mean((embeddings - mean) ** 2, axis=-1, keepdims=True)
    normalized = (embeddings - mean) / jnp.sqrt(variance + EPS)
    output = ln_weight * normalized + ln_bias
    return output

if __name__ == "__main__":
    import jax
    _d = setup_inputs()
    print(jax.jit(kernel)(*tuple(_d.values())))

</pallas_src>

<mosaic_0001>
#map = affine_map<(d0, d1) -> (0, 0)>
#map1 = affine_map<(d0, d1) -> (0, 0, 0)>
module attributes {stable_mosaic.version = 14 : i64} {
  func.func @_sc_body(%arg0: i32, %arg1: i32, %arg2: memref<100000x768xf32, #tpu.memory_space<hbm>>, %arg3: memref<32x4x64xi32, #tpu.memory_space<hbm>>, %arg4: memref<8192x768xf32, #tpu.memory_space<hbm>>, %arg5: memref<4x64xi32, #tpu.memory_space<vmem>>, %arg6: memref<2x64x768xf32, #tpu.memory_space<vmem>>, %arg7: memref<2x!tpu.dma_semaphore, #tpu.memory_space<semaphore_mem>>, %arg8: memref<2x!tpu.dma_semaphore, #tpu.memory_space<semaphore_mem>>) attributes {dimension_semantics = [#tpu.dimension_semantics<core_parallel>, #tpu.dimension_semantics<subcore_parallel>], iteration_bounds = array<i64: 2, 16>, scalar_prefetch = 0 : i64, scratch_operands = 4 : i64, tpu.core_type = #tpu.core_type<sc_vector_subcore>, window_params = [{transform_indices = #map}, {transform_indices = #map1}, {transform_indices = #map}]} {
    %mul3A = arith.constant 2 : i32
    %mul3A_0 = arith.muli %arg1, %mul3A : i32
    %add3A = arith.addi %mul3A_0, %arg0 : i32
    %mul3A_1 = arith.constant 256 : i32
    %mul3A_2 = arith.muli %add3A, %mul3A_1 : i32
    "tpu.region"() ({
      %run_scoped3A = tpu.sem_alloc : memref<!tpu.dma_semaphore, #tpu.memory_space<semaphore_mem>>
      %dma_start3A_257 = arith.constant 0 : i32
      %dma_start3A_258 = arith.constant 0 : i32
      %dma_start3A_259 = tpu.memref_slice %arg3[%add3A, %dma_start3A_257, %dma_start3A_258] : memref<32x4x64xi32, #tpu.memory_space<hbm>> -> memref<1x4x64xi32, #tpu.memory_space<hbm>>
      %dma_start3A_260 = tpu.memref_squeeze %dma_start3A_259 : memref<1x4x64xi32, #tpu.memory_space<hbm>> -> memref<4x64xi32, #tpu.memory_space<hbm>>
      %dma_start3A_261 = arith.constant 0 : i32
      %dma_start3A_262 = arith.constant 0 : i32
      %dma_start3A_263 = tpu.memref_slice %arg3[%add3A, %dma_start3A_261, %dma_start3A_262] : memref<32x4x64xi32, #tpu.memory_space<hbm>> -> memref<1x4x64xi32, #tpu.memory_space<hbm>>
      %dma_start3A_264 = tpu.memref_squeeze %dma_start3A_263 : memref<1x4x64xi32, #tpu.memory_space<hbm>> -> memref<4x64xi32, #tpu.memory_space<hbm>>
      tpu.enqueue_dma source(%dma_start3A_264 : memref<4x64xi32, #tpu.memory_space<hbm>>) target(%arg5 : memref<4x64xi32, #tpu.memory_space<vmem>>) target_semaphore(%run_scoped3A : memref<!tpu.dma_semaphore, #tpu.memory_space<semaphore_mem>>)
      %dma_wait3A_265 = arith.constant 0 : i32
      %dma_wait3A_266 = arith.constant 0 : i32
      %dma_wait3A_267 = tpu.memref_slice %arg3[%add3A, %dma_wait3A_265, %dma_wait3A_266] : memref<32x4x64xi32, #tpu.memory_space<hbm>> -> memref<1x4x64xi32, #tpu.memory_space<hbm>>
      %dma_wait3A_268 = tpu.memref_squeeze %dma_wait3A_267 : memref<1x4x64xi32, #tpu.memory_space<hbm>> -> memref<4x64xi32, #tpu.memory_space<hbm>>
      %dma_wait3A_269 = arith.constant 0 : i32
      %dma_wait3A_270 = arith.constant 0 : i32
      %dma_wait3A_271 = tpu.memref_slice %arg3[%add3A, %dma_wait3A_269, %dma_wait3A_270] : memref<32x4x64xi32, #tpu.memory_space<hbm>> -> memref<1x4x64xi32, #tpu.memory_space<hbm>>
      %dma_wait3A_272 = tpu.memref_squeeze %dma_wait3A_271 : memref<1x4x64xi32, #tpu.memory_space<hbm>> -> memref<4x64xi32, #tpu.memory_space<hbm>>
      tpu.wait_dma2 semaphore(%run_scoped3A : memref<!tpu.dma_semaphore, #tpu.memory_space<semaphore_mem>>) src(%dma_wait3A_272 : memref<4x64xi32, #tpu.memory_space<hbm>>) dst(%arg5 : memref<4x64xi32, #tpu.memory_space<vmem>>)
      tpu.yield
    }) : () -> ()
    %dma_start3A = arith.constant 0 : i32
    %dma_start3A_3 = arith.constant 0 : i32
    %dma_start3A_4 = arith.constant 0 : i32
    %dma_start3A_5 = arith.constant 0 : i32
    %dma_start3A_6 = arith.constant 0 : i32
    %dma_start3A_7 = tpu.memref_slice %arg6[%dma_start3A_3, %dma_start3A_5, %dma_start3A_6] : memref<2x64x768xf32, #tpu.memory_space<vmem>> -> memref<1x64x768xf32, #tpu.memory_space<vmem>>
    %dma_start3A_8 = tpu.memref_squeeze %dma_start3A_7 : memref<1x64x768xf32, #tpu.memory_space<vmem>> -> memref<64x768xf32, #tpu.memory_space<vmem>>
    %dma_start3A_9 = arith.constant 0 : i32
    %dma_start3A_10 = tpu.memref_slice %arg5[%dma_start3A, %dma_start3A_9] : memref<4x64xi32, #tpu.memory_space<vmem>> -> memref<1x64xi32, #tpu.memory_space<vmem>>
    %dma_start3A_11 = tpu.memref_squeeze %dma_start3A_10 : memref<1x64xi32, #tpu.memory_space<vmem>> -> memref<64xi32, #tpu.memory_space<vmem>>
    %dma_start3A_12 = arith.constant 0 : i32
    %dma_start3A_13 = arith.constant 0 : i32
    %dma_start3A_14 = tpu.memref_slice %arg2[%dma_start3A_12, %dma_start3A_13] : memref<100000x768xf32, #tpu.memory_space<hbm>> -> memref<100000x768xf32, #tpu.memory_space<hbm>>
    %dma_start3A_15 = tpu.memref_slice %arg7[%dma_start3A_4] : memref<2x!tpu.dma_semaphore, #tpu.memory_space<semaphore_mem>> -> memref<1x!tpu.dma_semaphore, #tpu.memory_space<semaphore_mem>>
    %dma_start3A_16 = tpu.memref_squeeze %dma_start3A_15 : memref<1x!tpu.dma_semaphore, #tpu.memory_space<semaphore_mem>> -> memref<!tpu.dma_semaphore, #tpu.memory_space<semaphore_mem>>
    tpu.enqueue_indirect_dma source(%dma_start3A_14 : memref<100000x768xf32, #tpu.memory_space<hbm>>) target(%dma_start3A_8 : memref<64x768xf32, #tpu.memory_space<vmem>>) offsets(%dma_start3A_11 : memref<64xi32, #tpu.memory_space<vmem>>) semaphore(%dma_start3A_16 : memref<!tpu.dma_semaphore, #tpu.memory_space<semaphore_mem>>)
    %dma_start3A_17 = arith.constant 1 : i32
    %dma_start3A_18 = arith.constant 1 : i32
    %dma_start3A_19 = arith.constant 1 : i32
    %dma_start3A_20 = arith.constant 0 : i32
    %dma_start3A_21 = arith.constant 0 : i32
    %dma_start3A_22 = tpu.memref_slice %arg6[%dma_start3A_18, %dma_start3A_20, %dma_start3A_21] : memref<2x64x768xf32, #tpu.memory_space<vmem>> -> memref<1x64x768xf32, #tpu.memory_space<vmem>>
    %dma_start3A_23 = tpu.memref_squeeze %dma_start3A_22 : memref<1x64x768xf32, #tpu.memory_space<vmem>> -> memref<64x768xf32, #tpu.memory_space<vmem>>
    %dma_start3A_24 = arith.constant 0 : i32
    %dma_start3A_25 = tpu.memref_slice %arg5[%dma_start3A_17, %dma_start3A_24] : memref<4x64xi32, #tpu.memory_space<vmem>> -> memref<1x64xi32, #tpu.memory_space<vmem>>
    %dma_start3A_26 = tpu.memref_squeeze %dma_start3A_25 : memref<1x64xi32, #tpu.memory_space<vmem>> -> memref<64xi32, #tpu.memory_space<vmem>>
    %dma_start3A_27 = arith.constant 0 : i32
    %dma_start3A_28 = arith.constant 0 : i32
    %dma_start3A_29 = tpu.memref_slice %arg2[%dma_start3A_27, %dma_start3A_28] : memref<100000x768xf32, #tpu.memory_space<hbm>> -> memref<100000x768xf32, #tpu.memory_space<hbm>>
    %dma_start3A_30 = tpu.memref_slice %arg7[%dma_start3A_19] : memref<2x!tpu.dma_semaphore, #tpu.memory_space<semaphore_mem>> -> memref<1x!tpu.dma_semaphore, #tpu.memory_space<semaphore_mem>>
    %dma_start3A_31 = tpu.memref_squeeze %dma_start3A_30 : memref<1x!tpu.dma_semaphore, #tpu.memory_space<semaphore_mem>> -> memref<!tpu.dma_semaphore, #tpu.memory_space<semaphore_mem>>
    tpu.enqueue_indirect_dma source(%dma_start3A_29 : memref<100000x768xf32, #tpu.memory_space<hbm>>) target(%dma_start3A_23 : memref<64x768xf32, #tpu.memory_space<vmem>>) offsets(%dma_start3A_26 : memref<64xi32, #tpu.memory_space<vmem>>) semaphore(%dma_start3A_31 : memref<!tpu.dma_semaphore, #tpu.memory_space<semaphore_mem>>)
    %dma_wait3A = arith.constant 0 : i32
    %dma_wait3A_32 = arith.constant 0 : i32
    %dma_wait3A_33 = arith.constant 0 : i32
    %dma_wait3A_34 = arith.constant 0 : i32
    %dma_wait3A_35 = arith.constant 0 : i32
    %dma_wait3A_36 = tpu.memref_slice %arg6[%dma_wait3A_32, %dma_wait3A_34, %dma_wait3A_35] : memref<2x64x768xf32, #tpu.memory_space<vmem>> -> memref<1x64x768xf32, #tpu.memory_space<vmem>>
    %dma_wait3A_37 = tpu.memref_squeeze %dma_wait3A_36 : memref<1x64x768xf32, #tpu.memory_space<vmem>> -> memref<64x768xf32, #tpu.memory_space<vmem>>
    %dma_wait3A_38 = arith.constant 0 : i32
    %dma_wait3A_39 = tpu.memref_slice %arg5[%dma_wait3A, %dma_wait3A_38] : memref<4x64xi32, #tpu.memory_space<vmem>> -> memref<1x64xi32, #tpu.memory_space<vmem>>
    %dma_wait3A_40 = tpu.memref_squeeze %dma_wait3A_39 : memref<1x64xi32, #tpu.memory_space<vmem>> -> memref<64xi32, #tpu.memory_space<vmem>>
    %dma_wait3A_41 = arith.constant 0 : i32
    %dma_wait3A_42 = arith.constant 0 : i32
    %dma_wait3A_43 = tpu.memref_slice %arg2[%dma_wait3A_41, %dma_wait3A_42] : memref<100000x768xf32, #tpu.memory_space<hbm>> -> memref<100000x768xf32, #tpu.memory_space<hbm>>
    %dma_wait3A_44 = tpu.memref_slice %arg7[%dma_wait3A_33] : memref<2x!tpu.dma_semaphore, #tpu.memory_space<semaphore_mem>> -> memref<1x!tpu.dma_semaphore, #tpu.memory_space<semaphore_mem>>
    %dma_wait3A_45 = tpu.memref_squeeze %dma_wait3A_44 : memref<1x!tpu.dma_semaphore, #tpu.memory_space<semaphore_mem>> -> memref<!tpu.dma_semaphore, #tpu.memory_space<semaphore_mem>>
    tpu.wait_indirect_dma semaphore(%dma_wait3A_45 : memref<!tpu.dma_semaphore, #tpu.memory_space<semaphore_mem>>) src(%dma_wait3A_43 : memref<100000x768xf32, #tpu.memory_space<hbm>>) dst(%dma_wait3A_37 : memref<64x768xf32, #tpu.memory_space<vmem>>)
    %add3A_46 = arith.constant 0 : i32
    %add3A_47 = arith.addi %mul3A_2, %add3A_46 : i32
    %dma_start3A_48 = arith.constant 0 : i32
    %dma_start3A_49 = arith.constant 0 : i32
    %dma_start3A_50 = arith.constant 0 : i32
    %dma_start3A_51 = arith.constant 0 : i32
    %dma_start3A_52 = tpu.memref_slice %arg6[%dma_start3A_48, %dma_start3A_50, %dma_start3A_51] : memref<2x64x768xf32, #tpu.memory_space<vmem>> -> memref<1x64x768xf32, #tpu.memory_space<vmem>>
    %dma_start3A_53 = tpu.memref_squeeze %dma_start3A_52 : memref<1x64x768xf32, #tpu.memory_space<vmem>> -> memref<64x768xf32, #tpu.memory_space<vmem>>
    %dma_start3A_54 = arith.constant 0 : i32
    %dma_start3A_55 = tpu.memref_slice %arg4[%add3A_47, %dma_start3A_54] : memref<8192x768xf32, #tpu.memory_space<hbm>> -> memref<64x768xf32, #tpu.memory_space<hbm>>
    %dma_start3A_56 = tpu.memref_slice %arg8[%dma_start3A_49] : memref<2x!tpu.dma_semaphore, #tpu.memory_space<semaphore_mem>> -> memref<1x!tpu.dma_semaphore, #tpu.memory_space<semaphore_mem>>
    %dma_start3A_57 = tpu.memref_squeeze %dma_start3A_56 : memref<1x!tpu.dma_semaphore, #tpu.memory_space<semaphore_mem>> -> memref<!tpu.dma_semaphore, #tpu.memory_space<semaphore_mem>>
    %dma_start3A_58 = arith.constant 0 : i32
    %dma_start3A_59 = tpu.memref_slice %arg4[%add3A_47, %dma_start3A_58] : memref<8192x768xf32, #tpu.memory_space<hbm>> -> memref<64x768xf32, #tpu.memory_space<hbm>>
    %dma_start3A_60 = arith.constant 0 : i32
    %dma_start3A_61 = arith.constant 0 : i32
    %dma_start3A_62 = tpu.memref_slice %arg6[%dma_start3A_48, %dma_start3A_60, %dma_start3A_61] : memref<2x64x768xf32, #tpu.memory_space<vmem>> -> memref<1x64x768xf32, #tpu.memory_space<vmem>>
    %dma_start3A_63 = tpu.memref_squeeze %dma_start3A_62 : memref<1x64x768xf32, #tpu.memory_space<vmem>> -> memref<64x768xf32, #tpu.memory_space<vmem>>
    tpu.enqueue_dma source(%dma_start3A_63 : memref<64x768xf32, #tpu.memory_space<vmem>>) target(%dma_start3A_59 : memref<64x768xf32, #tpu.memory_space<hbm>>) target_semaphore(%dma_start3A_57 : memref<!tpu.dma_semaphore, #tpu.memory_space<semaphore_mem>>)
    %dma_wait3A_64 = arith.constant 0 : i32
    %dma_wait3A_65 = arith.constant 0 : i32
    %dma_wait3A_66 = arith.constant 0 : i32
    %dma_wait3A_67 = arith.constant 0 : i32
    %dma_wait3A_68 = tpu.memref_slice %arg6[%dma_wait3A_64, %dma_wait3A_66, %dma_wait3A_67] : memref<2x64x768xf32, #tpu.memory_space<vmem>> -> memref<1x64x768xf32, #tpu.memory_space<vmem>>
    %dma_wait3A_69 = tpu.memref_squeeze %dma_wait3A_68 : memref<1x64x768xf32, #tpu.memory_space<vmem>> -> memref<64x768xf32, #tpu.memory_space<vmem>>
    %dma_wait3A_70 = arith.constant 0 : i32
    %dma_wait3A_71 = tpu.memref_slice %arg4[%add3A_47, %dma_wait3A_70] : memref<8192x768xf32, #tpu.memory_space<hbm>> -> memref<64x768xf32, #tpu.memory_space<hbm>>
    %dma_wait3A_72 = tpu.memref_slice %arg8[%dma_wait3A_65] : memref<2x!tpu.dma_semaphore, #tpu.memory_space<semaphore_mem>> -> memref<1x!tpu.dma_semaphore, #tpu.memory_space<semaphore_mem>>
    %dma_wait3A_73 = tpu.memref_squeeze %dma_wait3A_72 : memref<1x!tpu.dma_semaphore, #tpu.memory_space<semaphore_mem>> -> memref<!tpu.dma_semaphore, #tpu.memory_space<semaphore_mem>>
    %dma_wait3A_74 = arith.constant 0 : i32
    %dma_wait3A_75 = tpu.memref_slice %arg4[%add3A_47, %dma_wait3A_74] : memref<8192x768xf32, #tpu.memory_space<hbm>> -> memref<64x768xf32, #tpu.memory_space<hbm>>
    %dma_wait3A_76 = arith.constant 0 : i32
    %dma_wait3A_77 = arith.constant 0 : i32
    %dma_wait3A_78 = tpu.memref_slice %arg6[%dma_wait3A_64, %dma_wait3A_76, %dma_wait3A_77] : memref<2x64x768xf32, #tpu.memory_space<vmem>> -> memref<1x64x768xf32, #tpu.memory_space<vmem>>
    %dma_wait3A_79 = tpu.memref_squeeze %dma_wait3A_78 : memref<1x64x768xf32, #tpu.memory_space<vmem>> -> memref<64x768xf32, #tpu.memory_space<vmem>>
    tpu.wait_dma2 semaphore(%dma_wait3A_73 : memref<!tpu.dma_semaphore, #tpu.memory_space<semaphore_mem>>) src(%dma_wait3A_79 : memref<64x768xf32, #tpu.memory_space<vmem>>) dst(%dma_wait3A_75 : memref<64x768xf32, #tpu.memory_space<hbm>>)
    %dma_start3A_80 = arith.constant 2 : i32
    %dma_start3A_81 = arith.constant 0 : i32
    %dma_start3A_82 = arith.constant 0 : i32
    %dma_start3A_83 = arith.constant 0 : i32
    %dma_start3A_84 = arith.constant 0 : i32
    %dma_start3A_85 = tpu.memref_slice %arg6[%dma_start3A_81, %dma_start3A_83, %dma_start3A_84] : memref<2x64x768xf32, #tpu.memory_space<vmem>> -> memref<1x64x768xf32, #tpu.memory_space<vmem>>
    %dma_start3A_86 = tpu.memref_squeeze %dma_start3A_85 : memref<1x64x768xf32, #tpu.memory_space<vmem>> -> memref<64x768xf32, #tpu.memory_space<vmem>>
    %dma_start3A_87 = arith.constant 0 : i32
    %dma_start3A_88 = tpu.memref_slice %arg5[%dma_start3A_80, %dma_start3A_87] : memref<4x64xi32, #tpu.memory_space<vmem>> -> memref<1x64xi32, #tpu.memory_space<vmem>>
    %dma_start3A_89 = tpu.memref_squeeze %dma_start3A_88 : memref<1x64xi32, #tpu.memory_space<vmem>> -> memref<64xi32, #tpu.memory_space<vmem>>
    %dma_start3A_90 = arith.constant 0 : i32
    %dma_start3A_91 = arith.constant 0 : i32
    %dma_start3A_92 = tpu.memref_slice %arg2[%dma_start3A_90, %dma_start3A_91] : memref<100000x768xf32, #tpu.memory_space<hbm>> -> memref<100000x768xf32, #tpu.memory_space<hbm>>
    %dma_start3A_93 = tpu.memref_slice %arg7[%dma_start3A_82] : memref<2x!tpu.dma_semaphore, #tpu.memory_space<semaphore_mem>> -> memref<1x!tpu.dma_semaphore, #tpu.memory_space<semaphore_mem>>
    %dma_start3A_94 = tpu.memref_squeeze %dma_start3A_93 : memref<1x!tpu.dma_semaphore, #tpu.memory_space<semaphore_mem>> -> memref<!tpu.dma_semaphore, #tpu.memory_space<semaphore_mem>>
    tpu.enqueue_indirect_dma source(%dma_start3A_92 : memref<100000x768xf32, #tpu.memory_space<hbm>>) target(%dma_start3A_86 : memref<64x768xf32, #tpu.memory_space<vmem>>) offsets(%dma_start3A_89 : memref<64xi32, #tpu.memory_space<vmem>>) semaphore(%dma_start3A_94 : memref<!tpu.dma_semaphore, #tpu.memory_space<semaphore_mem>>)
    %dma_wait3A_95 = arith.constant 1 : i32
    %dma_wait3A_96 = arith.constant 1 : i32
    %dma_wait3A_97 = arith.constant 1 : i32
    %dma_wait3A_98 = arith.constant 0 : i32
    %dma_wait3A_99 = arith.constant 0 : i32
    %dma_wait3A_100 = tpu.memref_slice %arg6[%dma_wait3A_96, %dma_wait3A_98, %dma_wait3A_99] : memref<2x64x768xf32, #tpu.memory_space<vmem>> -> memref<1x64x768xf32, #tpu.memory_space<vmem>>
    %dma_wait3A_101 = tpu.memref_squeeze %dma_wait3A_100 : memref<1x64x768xf32, #tpu.memory_space<vmem>> -> memref<64x768xf32, #tpu.memory_space<vmem>>
    %dma_wait3A_102 = arith.constant 0 : i32
    %dma_wait3A_103 = tpu.memref_slice %arg5[%dma_wait3A_95, %dma_wait3A_102] : memref<4x64xi32, #tpu.memory_space<vmem>> -> memref<1x64xi32, #tpu.memory_space<vmem>>
    %dma_wait3A_104 = tpu.memref_squeeze %dma_wait3A_103 : memref<1x64xi32, #tpu.memory_space<vmem>> -> memref<64xi32, #tpu.memory_space<vmem>>
    %dma_wait3A_105 = arith.constant 0 : i32
    %dma_wait3A_106 = arith.constant 0 : i32
    %dma_wait3A_107 = tpu.memref_slice %arg2[%dma_wait3A_105, %dma_wait3A_106] : memref<100000x768xf32, #tpu.memory_space<hbm>> -> memref<100000x768xf32, #tpu.memory_space<hbm>>
    %dma_wait3A_108 = tpu.memref_slice %arg7[%dma_wait3A_97] : memref<2x!tpu.dma_semaphore, #tpu.memory_space<semaphore_mem>> -> memref<1x!tpu.dma_semaphore, #tpu.memory_space<semaphore_mem>>
    %dma_wait3A_109 = tpu.memref_squeeze %dma_wait3A_108 : memref<1x!tpu.dma_semaphore, #tpu.memory_space<semaphore_mem>> -> memref<!tpu.dma_semaphore, #tpu.memory_space<semaphore_mem>>
    tpu.wait_indirect_dma semaphore(%dma_wait3A_109 : memref<!tpu.dma_semaphore, #tpu.memory_space<semaphore_mem>>) src(%dma_wait3A_107 : memref<100000x768xf32, #tpu.memory_space<hbm>>) dst(%dma_wait3A_101 : memref<64x768xf32, #tpu.memory_space<vmem>>)
    %add3A_110 = arith.constant 64 : i32
    %add3A_111 = arith.addi %mul3A_2, %add3A_110 : i32
    %dma_start3A_112 = arith.constant 1 : i32
    %dma_start3A_113 = arith.constant 1 : i32
    %dma_start3A_114 = arith.constant 0 : i32
    %dma_start3A_115 = arith.constant 0 : i32
    %dma_start3A_116 = tpu.memref_slice %arg6[%dma_start3A_112, %dma_start3A_114, %dma_start3A_115] : memref<2x64x768xf32, #tpu.memory_space<vmem>> -> memref<1x64x768xf32, #tpu.memory_space<vmem>>
    %dma_start3A_117 = tpu.memref_squeeze %dma_start3A_116 : memref<1x64x768xf32, #tpu.memory_space<vmem>> -> memref<64x768xf32, #tpu.memory_space<vmem>>
    %dma_start3A_118 = arith.constant 0 : i32
    %dma_start3A_119 = tpu.memref_slice %arg4[%add3A_111, %dma_start3A_118] : memref<8192x768xf32, #tpu.memory_space<hbm>> -> memref<64x768xf32, #tpu.memory_space<hbm>>
    %dma_start3A_120 = tpu.memref_slice %arg8[%dma_start3A_113] : memref<2x!tpu.dma_semaphore, #tpu.memory_space<semaphore_mem>> -> memref<1x!tpu.dma_semaphore, #tpu.memory_space<semaphore_mem>>
    %dma_start3A_121 = tpu.memref_squeeze %dma_start3A_120 : memref<1x!tpu.dma_semaphore, #tpu.memory_space<semaphore_mem>> -> memref<!tpu.dma_semaphore, #tpu.memory_space<semaphore_mem>>
    %dma_start3A_122 = arith.constant 0 : i32
    %dma_start3A_123 = tpu.memref_slice %arg4[%add3A_111, %dma_start3A_122] : memref<8192x768xf32, #tpu.memory_space<hbm>> -> memref<64x768xf32, #tpu.memory_space<hbm>>
    %dma_start3A_124 = arith.constant 0 : i32
    %dma_start3A_125 = arith.constant 0 : i32
    %dma_start3A_126 = tpu.memref_slice %arg6[%dma_start3A_112, %dma_start3A_124, %dma_start3A_125] : memref<2x64x768xf32, #tpu.memory_space<vmem>> -> memref<1x64x768xf32, #tpu.memory_space<vmem>>
    %dma_start3A_127 = tpu.memref_squeeze %dma_start3A_126 : memref<1x64x768xf32, #tpu.memory_space<vmem>> -> memref<64x768xf32, #tpu.memory_space<vmem>>
    tpu.enqueue_dma source(%dma_start3A_127 : memref<64x768xf32, #tpu.memory_space<vmem>>) target(%dma_start3A_123 : memref<64x768xf32, #tpu.memory_space<hbm>>) target_semaphore(%dma_start3A_121 : memref<!tpu.dma_semaphore, #tpu.memory_space<semaphore_mem>>)
    %dma_wait3A_128 = arith.constant 1 : i32
    %dma_wait3A_129 = arith.constant 1 : i32
    %dma_wait3A_130 = arith.constant 0 : i32
    %dma_wait3A_131 = arith.constant 0 : i32
    %dma_wait3A_132 = tpu.memref_slice %arg6[%dma_wait3A_128, %dma_wait3A_130, %dma_wait3A_131] : memref<2x64x768xf32, #tpu.memory_space<vmem>> -> memref<1x64x768xf32, #tpu.memory_space<vmem>>
    %dma_wait3A_133 = tpu.memref_squeeze %dma_wait3A_132 : memref<1x64x768xf32, #tpu.memory_space<vmem>> -> memref<64x768xf32, #tpu.memory_space<vmem>>
    %dma_wait3A_134 = arith.constant 0 : i32
    %dma_wait3A_135 = tpu.memref_slice %arg4[%add3A_111, %dma_wait3A_134] : memref<8192x768xf32, #tpu.memory_space<hbm>> -> memref<64x768xf32, #tpu.memory_space<hbm>>
    %dma_wait3A_136 = tpu.memref_slice %arg8[%dma_wait3A_129] : memref<2x!tpu.dma_semaphore, #tpu.memory_space<semaphore_mem>> -> memref<1x!tpu.dma_semaphore, #tpu.memory_space<semaphore_mem>>
    %dma_wait3A_137 = tpu.memref_squeeze %dma_wait3A_136 : memref<1x!tpu.dma_semaphore, #tpu.memory_space<semaphore_mem>> -> memref<!tpu.dma_semaphore, #tpu.memory_space<semaphore_mem>>
    %dma_wait3A_138 = arith.constant 0 : i32
    %dma_wait3A_139 = tpu.memref_slice %arg4[%add3A_111, %dma_wait3A_138] : memref<8192x768xf32, #tpu.memory_space<hbm>> -> memref<64x768xf32, #tpu.memory_space<hbm>>
    %dma_wait3A_140 = arith.constant 0 : i32
    %dma_wait3A_141 = arith.constant 0 : i32
    %dma_wait3A_142 = tpu.memref_slice %arg6[%dma_wait3A_128, %dma_wait3A_140, %dma_wait3A_141] : memref<2x64x768xf32, #tpu.memory_space<vmem>> -> memref<1x64x768xf32, #tpu.memory_space<vmem>>
    %dma_wait3A_143 = tpu.memref_squeeze %dma_wait3A_142 : memref<1x64x768xf32, #tpu.memory_space<vmem>> -> memref<64x768xf32, #tpu.memory_space<vmem>>
    tpu.wait_dma2 semaphore(%dma_wait3A_137 : memref<!tpu.dma_semaphore, #tpu.memory_space<semaphore_mem>>) src(%dma_wait3A_143 : memref<64x768xf32, #tpu.memory_space<vmem>>) dst(%dma_wait3A_139 : memref<64x768xf32, #tpu.memory_space<hbm>>)
    %dma_start3A_144 = arith.constant 3 : i32
    %dma_start3A_145 = arith.constant 1 : i32
    %dma_start3A_146 = arith.constant 1 : i32
    %dma_start3A_147 = arith.constant 0 : i32
    %dma_start3A_148 = arith.constant 0 : i32
    %dma_start3A_149 = tpu.memref_slice %arg6[%dma_start3A_145, %dma_start3A_147, %dma_start3A_148] : memref<2x64x768xf32, #tpu.memory_space<vmem>> -> memref<1x64x768xf32, #tpu.memory_space<vmem>>
    %dma_start3A_150 = tpu.memref_squeeze %dma_start3A_149 : memref<1x64x768xf32, #tpu.memory_space<vmem>> -> memref<64x768xf32, #tpu.memory_space<vmem>>
    %dma_start3A_151 = arith.constant 0 : i32
    %dma_start3A_152 = tpu.memref_slice %arg5[%dma_start3A_144, %dma_start3A_151] : memref<4x64xi32, #tpu.memory_space<vmem>> -> memref<1x64xi32, #tpu.memory_space<vmem>>
    %dma_start3A_153 = tpu.memref_squeeze %dma_start3A_152 : memref<1x64xi32, #tpu.memory_space<vmem>> -> memref<64xi32, #tpu.memory_space<vmem>>
    %dma_start3A_154 = arith.constant 0 : i32
    %dma_start3A_155 = arith.constant 0 : i32
    %dma_start3A_156 = tpu.memref_slice %arg2[%dma_start3A_154, %dma_start3A_155] : memref<100000x768xf32, #tpu.memory_space<hbm>> -> memref<100000x768xf32, #tpu.memory_space<hbm>>
    %dma_start3A_157 = tpu.memref_slice %arg7[%dma_start3A_146] : memref<2x!tpu.dma_semaphore, #tpu.memory_space<semaphore_mem>> -> memref<1x!tpu.dma_semaphore, #tpu.memory_space<semaphore_mem>>
    %dma_start3A_158 = tpu.memref_squeeze %dma_start3A_157 : memref<1x!tpu.dma_semaphore, #tpu.memory_space<semaphore_mem>> -> memref<!tpu.dma_semaphore, #tpu.memory_space<semaphore_mem>>
    tpu.enqueue_indirect_dma source(%dma_start3A_156 : memref<100000x768xf32, #tpu.memory_space<hbm>>) target(%dma_start3A_150 : memref<64x768xf32, #tpu.memory_space<vmem>>) offsets(%dma_start3A_153 : memref<64xi32, #tpu.memory_space<vmem>>) semaphore(%dma_start3A_158 : memref<!tpu.dma_semaphore, #tpu.memory_space<semaphore_mem>>)
    %dma_wait3A_159 = arith.constant 2 : i32
    %dma_wait3A_160 = arith.constant 0 : i32
    %dma_wait3A_161 = arith.constant 0 : i32
    %dma_wait3A_162 = arith.constant 0 : i32
    %dma_wait3A_163 = arith.constant 0 : i32
    %dma_wait3A_164 = tpu.memref_slice %arg6[%dma_wait3A_160, %dma_wait3A_162, %dma_wait3A_163] : memref<2x64x768xf32, #tpu.memory_space<vmem>> -> memref<1x64x768xf32, #tpu.memory_space<vmem>>
    %dma_wait3A_165 = tpu.memref_squeeze %dma_wait3A_164 : memref<1x64x768xf32, #tpu.memory_space<vmem>> -> memref<64x768xf32, #tpu.memory_space<vmem>>
    %dma_wait3A_166 = arith.constant 0 : i32
    %dma_wait3A_167 = tpu.memref_slice %arg5[%dma_wait3A_159, %dma_wait3A_166] : memref<4x64xi32, #tpu.memory_space<vmem>> -> memref<1x64xi32, #tpu.memory_space<vmem>>
    %dma_wait3A_168 = tpu.memref_squeeze %dma_wait3A_167 : memref<1x64xi32, #tpu.memory_space<vmem>> -> memref<64xi32, #tpu.memory_space<vmem>>
    %dma_wait3A_169 = arith.constant 0 : i32
    %dma_wait3A_170 = arith.constant 0 : i32
    %dma_wait3A_171 = tpu.memref_slice %arg2[%dma_wait3A_169, %dma_wait3A_170] : memref<100000x768xf32, #tpu.memory_space<hbm>> -> memref<100000x768xf32, #tpu.memory_space<hbm>>
    %dma_wait3A_172 = tpu.memref_slice %arg7[%dma_wait3A_161] : memref<2x!tpu.dma_semaphore, #tpu.memory_space<semaphore_mem>> -> memref<1x!tpu.dma_semaphore, #tpu.memory_space<semaphore_mem>>
    %dma_wait3A_173 = tpu.memref_squeeze %dma_wait3A_172 : memref<1x!tpu.dma_semaphore, #tpu.memory_space<semaphore_mem>> -> memref<!tpu.dma_semaphore, #tpu.memory_space<semaphore_mem>>
    tpu.wait_indirect_dma semaphore(%dma_wait3A_173 : memref<!tpu.dma_semaphore, #tpu.memory_space<semaphore_mem>>) src(%dma_wait3A_171 : memref<100000x768xf32, #tpu.memory_space<hbm>>) dst(%dma_wait3A_165 : memref<64x768xf32, #tpu.memory_space<vmem>>)
    %add3A_174 = arith.constant 128 : i32
    %add3A_175 = arith.addi %mul3A_2, %add3A_174 : i32
    %dma_start3A_176 = arith.constant 0 : i32
    %dma_start3A_177 = arith.constant 0 : i32
    %dma_start3A_178 = arith.constant 0 : i32
    %dma_start3A_179 = arith.constant 0 : i32
    %dma_start3A_180 = tpu.memref_slice %arg6[%dma_start3A_176, %dma_start3A_178, %dma_start3A_179] : memref<2x64x768xf32, #tpu.memory_space<vmem>> -> memref<1x64x768xf32, #tpu.memory_space<vmem>>
    %dma_start3A_181 = tpu.memref_squeeze %dma_start3A_180 : memref<1x64x768xf32, #tpu.memory_space<vmem>> -> memref<64x768xf32, #tpu.memory_space<vmem>>
    %dma_start3A_182 = arith.constant 0 : i32
    %dma_start3A_183 = tpu.memref_slice %arg4[%add3A_175, %dma_start3A_182] : memref<8192x768xf32, #tpu.memory_space<hbm>> -> memref<64x768xf32, #tpu.memory_space<hbm>>
    %dma_start3A_184 = tpu.memref_slice %arg8[%dma_start3A_177] : memref<2x!tpu.dma_semaphore, #tpu.memory_space<semaphore_mem>> -> memref<1x!tpu.dma_semaphore, #tpu.memory_space<semaphore_mem>>
    %dma_start3A_185 = tpu.memref_squeeze %dma_start3A_184 : memref<1x!tpu.dma_semaphore, #tpu.memory_space<semaphore_mem>> -> memref<!tpu.dma_semaphore, #tpu.memory_space<semaphore_mem>>
    %dma_start3A_186 = arith.constant 0 : i32
    %dma_start3A_187 = tpu.memref_slice %arg4[%add3A_175, %dma_start3A_186] : memref<8192x768xf32, #tpu.memory_space<hbm>> -> memref<64x768xf32, #tpu.memory_space<hbm>>
    %dma_start3A_188 = arith.constant 0 : i32
    %dma_start3A_189 = arith.constant 0 : i32
    %dma_start3A_190 = tpu.memref_slice %arg6[%dma_start3A_176, %dma_start3A_188, %dma_start3A_189] : memref<2x64x768xf32, #tpu.memory_space<vmem>> -> memref<1x64x768xf32, #tpu.memory_space<vmem>>
    %dma_start3A_191 = tpu.memref_squeeze %dma_start3A_190 : memref<1x64x768xf32, #tpu.memory_space<vmem>> -> memref<64x768xf32, #tpu.memory_space<vmem>>
    tpu.enqueue_dma source(%dma_start3A_191 : memref<64x768xf32, #tpu.memory_space<vmem>>) target(%dma_start3A_187 : memref<64x768xf32, #tpu.memory_space<hbm>>) target_semaphore(%dma_start3A_185 : memref<!tpu.dma_semaphore, #tpu.memory_space<semaphore_mem>>)
    %dma_wait3A_192 = arith.constant 3 : i32
    %dma_wait3A_193 = arith.constant 1 : i32
    %dma_wait3A_194 = arith.constant 1 : i32
    %dma_wait3A_195 = arith.constant 0 : i32
    %dma_wait3A_196 = arith.constant 0 : i32
    %dma_wait3A_197 = tpu.memref_slice %arg6[%dma_wait3A_193, %dma_wait3A_195, %dma_wait3A_196] : memref<2x64x768xf32, #tpu.memory_space<vmem>> -> memref<1x64x768xf32, #tpu.memory_space<vmem>>
    %dma_wait3A_198 = tpu.memref_squeeze %dma_wait3A_197 : memref<1x64x768xf32, #tpu.memory_space<vmem>> -> memref<64x768xf32, #tpu.memory_space<vmem>>
    %dma_wait3A_199 = arith.constant 0 : i32
    %dma_wait3A_200 = tpu.memref_slice %arg5[%dma_wait3A_192, %dma_wait3A_199] : memref<4x64xi32, #tpu.memory_space<vmem>> -> memref<1x64xi32, #tpu.memory_space<vmem>>
    %dma_wait3A_201 = tpu.memref_squeeze %dma_wait3A_200 : memref<1x64xi32, #tpu.memory_space<vmem>> -> memref<64xi32, #tpu.memory_space<vmem>>
    %dma_wait3A_202 = arith.constant 0 : i32
    %dma_wait3A_203 = arith.constant 0 : i32
    %dma_wait3A_204 = tpu.memref_slice %arg2[%dma_wait3A_202, %dma_wait3A_203] : memref<100000x768xf32, #tpu.memory_space<hbm>> -> memref<100000x768xf32, #tpu.memory_space<hbm>>
    %dma_wait3A_205 = tpu.memref_slice %arg7[%dma_wait3A_194] : memref<2x!tpu.dma_semaphore, #tpu.memory_space<semaphore_mem>> -> memref<1x!tpu.dma_semaphore, #tpu.memory_space<semaphore_mem>>
    %dma_wait3A_206 = tpu.memref_squeeze %dma_wait3A_205 : memref<1x!tpu.dma_semaphore, #tpu.memory_space<semaphore_mem>> -> memref<!tpu.dma_semaphore, #tpu.memory_space<semaphore_mem>>
    tpu.wait_indirect_dma semaphore(%dma_wait3A_206 : memref<!tpu.dma_semaphore, #tpu.memory_space<semaphore_mem>>) src(%dma_wait3A_204 : memref<100000x768xf32, #tpu.memory_space<hbm>>) dst(%dma_wait3A_198 : memref<64x768xf32, #tpu.memory_space<vmem>>)
    %add3A_207 = arith.constant 192 : i32
    %add3A_208 = arith.addi %mul3A_2, %add3A_207 : i32
    %dma_start3A_209 = arith.constant 1 : i32
    %dma_start3A_210 = arith.constant 1 : i32
    %dma_start3A_211 = arith.constant 0 : i32
    %dma_start3A_212 = arith.constant 0 : i32
    %dma_start3A_213 = tpu.memref_slice %arg6[%dma_start3A_209, %dma_start3A_211, %dma_start3A_212] : memref<2x64x768xf32, #tpu.memory_space<vmem>> -> memref<1x64x768xf32, #tpu.memory_space<vmem>>
    %dma_start3A_214 = tpu.memref_squeeze %dma_start3A_213 : memref<1x64x768xf32, #tpu.memory_space<vmem>> -> memref<64x768xf32, #tpu.memory_space<vmem>>
    %dma_start3A_215 = arith.constant 0 : i32
    %dma_start3A_216 = tpu.memref_slice %arg4[%add3A_208, %dma_start3A_215] : memref<8192x768xf32, #tpu.memory_space<hbm>> -> memref<64x768xf32, #tpu.memory_space<hbm>>
    %dma_start3A_217 = tpu.memref_slice %arg8[%dma_start3A_210] : memref<2x!tpu.dma_semaphore, #tpu.memory_space<semaphore_mem>> -> memref<1x!tpu.dma_semaphore, #tpu.memory_space<semaphore_mem>>
    %dma_start3A_218 = tpu.memref_squeeze %dma_start3A_217 : memref<1x!tpu.dma_semaphore, #tpu.memory_space<semaphore_mem>> -> memref<!tpu.dma_semaphore, #tpu.memory_space<semaphore_mem>>
    %dma_start3A_219 = arith.constant 0 : i32
    %dma_start3A_220 = tpu.memref_slice %arg4[%add3A_208, %dma_start3A_219] : memref<8192x768xf32, #tpu.memory_space<hbm>> -> memref<64x768xf32, #tpu.memory_space<hbm>>
    %dma_start3A_221 = arith.constant 0 : i32
    %dma_start3A_222 = arith.constant 0 : i32
    %dma_start3A_223 = tpu.memref_slice %arg6[%dma_start3A_209, %dma_start3A_221, %dma_start3A_222] : memref<2x64x768xf32, #tpu.memory_space<vmem>> -> memref<1x64x768xf32, #tpu.memory_space<vmem>>
    %dma_start3A_224 = tpu.memref_squeeze %dma_start3A_223 : memref<1x64x768xf32, #tpu.memory_space<vmem>> -> memref<64x768xf32, #tpu.memory_space<vmem>>
    tpu.enqueue_dma source(%dma_start3A_224 : memref<64x768xf32, #tpu.memory_space<vmem>>) target(%dma_start3A_220 : memref<64x768xf32, #tpu.memory_space<hbm>>) target_semaphore(%dma_start3A_218 : memref<!tpu.dma_semaphore, #tpu.memory_space<semaphore_mem>>)
    %dma_wait3A_225 = arith.constant 0 : i32
    %dma_wait3A_226 = arith.constant 0 : i32
    %dma_wait3A_227 = arith.constant 0 : i32
    %dma_wait3A_228 = arith.constant 0 : i32
    %dma_wait3A_229 = tpu.memref_slice %arg6[%dma_wait3A_225, %dma_wait3A_227, %dma_wait3A_228] : memref<2x64x768xf32, #tpu.memory_space<vmem>> -> memref<1x64x768xf32, #tpu.memory_space<vmem>>
    %dma_wait3A_230 = tpu.memref_squeeze %dma_wait3A_229 : memref<1x64x768xf32, #tpu.memory_space<vmem>> -> memref<64x768xf32, #tpu.memory_space<vmem>>
    %dma_wait3A_231 = arith.constant 0 : i32
    %dma_wait3A_232 = tpu.memref_slice %arg4[%add3A_175, %dma_wait3A_231] : memref<8192x768xf32, #tpu.memory_space<hbm>> -> memref<64x768xf32, #tpu.memory_space<hbm>>
    %dma_wait3A_233 = tpu.memref_slice %arg8[%dma_wait3A_226] : memref<2x!tpu.dma_semaphore, #tpu.memory_space<semaphore_mem>> -> memref<1x!tpu.dma_semaphore, #tpu.memory_space<semaphore_mem>>
    %dma_wait3A_234 = tpu.memref_squeeze %dma_wait3A_233 : memref<1x!tpu.dma_semaphore, #tpu.memory_space<semaphore_mem>> -> memref<!tpu.dma_semaphore, #tpu.memory_space<semaphore_mem>>
    %dma_wait3A_235 = arith.constant 0 : i32
    %dma_wait3A_236 = tpu.memref_slice %arg4[%add3A_175, %dma_wait3A_235] : memref<8192x768xf32, #tpu.memory_space<hbm>> -> memref<64x768xf32, #tpu.memory_space<hbm>>
    %dma_wait3A_237 = arith.constant 0 : i32
    %dma_wait3A_238 = arith.constant 0 : i32
    %dma_wait3A_239 = tpu.memref_slice %arg6[%dma_wait3A_225, %dma_wait3A_237, %dma_wait3A_238] : memref<2x64x768xf32, #tpu.memory_space<vmem>> -> memref<1x64x768xf32, #tpu.memory_space<vmem>>
    %dma_wait3A_240 = tpu.memref_squeeze %dma_wait3A_239 : memref<1x64x768xf32, #tpu.memory_space<vmem>> -> memref<64x768xf32, #tpu.memory_space<vmem>>
    tpu.wait_dma2 semaphore(%dma_wait3A_234 : memref<!tpu.dma_semaphore, #tpu.memory_space<semaphore_mem>>) src(%dma_wait3A_240 : memref<64x768xf32, #tpu.memory_space<vmem>>) dst(%dma_wait3A_236 : memref<64x768xf32, #tpu.memory_space<hbm>>)
    %dma_wait3A_241 = arith.constant 1 : i32
    %dma_wait3A_242 = arith.constant 1 : i32
    %dma_wait3A_243 = arith.constant 0 : i32
    %dma_wait3A_244 = arith.constant 0 : i32
    %dma_wait3A_245 = tpu.memref_slice %arg6[%dma_wait3A_241, %dma_wait3A_243, %dma_wait3A_244] : memref<2x64x768xf32, #tpu.memory_space<vmem>> -> memref<1x64x768xf32, #tpu.memory_space<vmem>>
    %dma_wait3A_246 = tpu.memref_squeeze %dma_wait3A_245 : memref<1x64x768xf32, #tpu.memory_space<vmem>> -> memref<64x768xf32, #tpu.memory_space<vmem>>
    %dma_wait3A_247 = arith.constant 0 : i32
    %dma_wait3A_248 = tpu.memref_slice %arg4[%add3A_208, %dma_wait3A_247] : memref<8192x768xf32, #tpu.memory_space<hbm>> -> memref<64x768xf32, #tpu.memory_space<hbm>>
    %dma_wait3A_249 = tpu.memref_slice %arg8[%dma_wait3A_242] : memref<2x!tpu.dma_semaphore, #tpu.memory_space<semaphore_mem>> -> memref<1x!tpu.dma_semaphore, #tpu.memory_space<semaphore_mem>>
    %dma_wait3A_250 = tpu.memref_squeeze %dma_wait3A_249 : memref<1x!tpu.dma_semaphore, #tpu.memory_space<semaphore_mem>> -> memref<!tpu.dma_semaphore, #tpu.memory_space<semaphore_mem>>
    %dma_wait3A_251 = arith.constant 0 : i32
    %dma_wait3A_252 = tpu.memref_slice %arg4[%add3A_208, %dma_wait3A_251] : memref<8192x768xf32, #tpu.memory_space<hbm>> -> memref<64x768xf32, #tpu.memory_space<hbm>>
    %dma_wait3A_253 = arith.constant 0 : i32
    %dma_wait3A_254 = arith.constant 0 : i32
    %dma_wait3A_255 = tpu.memref_slice %arg6[%dma_wait3A_241, %dma_wait3A_253, %dma_wait3A_254] : memref<2x64x768xf32, #tpu.memory_space<vmem>> -> memref<1x64x768xf32, #tpu.memory_space<vmem>>
    %dma_wait3A_256 = tpu.memref_squeeze %dma_wait3A_255 : memref<1x64x768xf32, #tpu.memory_space<vmem>> -> memref<64x768xf32, #tpu.memory_space<vmem>>
    tpu.wait_dma2 semaphore(%dma_wait3A_250 : memref<!tpu.dma_semaphore, #tpu.memory_space<semaphore_mem>>) src(%dma_wait3A_256 : memref<64x768xf32, #tpu.memory_space<vmem>>) dst(%dma_wait3A_252 : memref<64x768xf32, #tpu.memory_space<hbm>>)
    return
  }
}

</mosaic_0001>

<sc_bundles>
// kernel: _sc_gather.3.cloned.1.call-start
scs
__scs_entry_jumppad:
0x0: {  	(pc) =	sbr.rel $0x88, $3  }
0x1: {  	(tag) =	ssettag $0x0;
	lr =	simm.s32 $0x1  }
0x2: {  	[smem:$0x3F9F] =	sst lr;
	_ =	strace $0xD0000000  }
0x3: {  	_ = 	snop  }
0x4: {  	_ = 	snop  }
0x5: {  	_ = 	snop  }
0x6: {  	_ = 	snop  }
0x7: {  	_ = 	snop  }
__scs_overlays_trampoline_lowered:
0x8: {  	[smem:$0x3FAE] =	sst s0  }
0x9: {  	[smem:$0x3FAF] =	sst s1  }
0xa: {  	[smem:$0x3FB0] =	sst s2  }
0xb: {  	[smem:$0x3FB1] =	sst s3  }
0xc: {  	[smem:$0x3FB2] =	sst s4  }
0xd: {  	[smem:$0x3FB3] =	sst s5  }
0xe: {  	[smem:$0x3FB4] =	sst s6  }
0xf: {  	[smem:$0x3FB5] =	sst s7  }
0x10: {  	[smem:$0x3FB6] =	sst s8  }
0x11: {  	[smem:$0x3FB7] =	sst s9;
	s0 =	simm.s32 @!p0 $0x0  }
0x12: {  	s1 =	sld [smem:$0x3F9D];
	s0 =	simm.s32 @p0 $0x1  }
0x13: {  	[smem:$0x3FB8] =	sst s0;
	s0 =	simm.s32 @!p1 $0x0  }
0x14: {  	s2 =	sld [smem:$0x3F9C];
	s0 =	simm.s32 @p1 $0x1  }
0x15: {  	[smem:$0x3FB9] =	sst s0;
	s0 =	simm.s32 @!p2 $0x0  }
0x16: {  	s3 =	sld [smem:$0x3FDB];
	s0 =	simm.s32 @p2 $0x1  }
0x17: {  	s4 =	simm.s32 $0x1BF5;
	[smem:$0x3FBB] =	sst s0  }
0x18: {  	s0 =	sld [smem:$0x3F9E];
	_ =	swait.ge [sflag:s4], $0x0  }
0x19: {  	s7 =	sld [smem:$0x3F9F]  }
0x1a: {  	s8 =	sadd.s32 $0xFFFFE003, lr  }
0x1b: {  	s9 =	sadd.s32 $0xFFFFFEF7, lr;
	s5 =	simm.s32 $0xFFFFFFFF;
	p2 =	slt.u32 s8, $0xFFFFF086  }
0x1c: {  	p1 =	slt.u32 s9, $0xF7A;
	s5 =	simm.s32 @!p2 $0x0  }
0x1d: {  	s5 =	simm.s32 @p1 $0x1;
	p0 =	seq.s32 s7, s2  }
0x1e: {  	s7 =	smul.u32 @!p0 $0xF7A, s2;
	p2 =	seq.s32 @!p0 s5, $0x0  }
0x1f: {  	s9 =	smul.u32 $0xF7A, s1;
	s8 =	simm.s32 @!p0 $0x1BF5;
	p2 =	por !p2, p0  }
0x20: {  	[sflag:s8] =	ssyncset.s32 @!p0 $0xFFFFF086;
	s6 =	sadd.s32 @!p0 s3, s7;
	s7 =	simm.s32 @!p0 $0x108  }
0x21: {  	s3 =	sadd.s32 s3, s9;
	s6 =	sadd.s32 @!p0 $0x88, s6;
	s7 =	simm.s32 @p2 $0x1082  }
0x22: {  	[simem:s7], [sflag:s8] =	dma.local @!p0 [hbm:s6], $0xF7A  }
0x23: {  	s9 =	sor.u32 $0xD0000000, s2;
	s6 =	simm.s32 $0x108;
	_ =	swait.ge @!p0 [sflag:s8], $0x0  }
0x24: {  	s3 =	sadd.s32 $0x88, s3;
	s6 =	simm.s32 @!p1 $0x1082;
	[sflag:s4] =	ssyncset.s32 $0xFFFFF086  }
0x25: {  	[simem:s6], [sflag:s4] =	dma.local [hbm:s3], $0xF7A  }
0x26: {  	[smem:$0x3F9F] =	sst s1;
	(tag) =	ssettag s2;
	_ =	strace s9  }
0x27: {  	s1 =	sld [smem:$0x3FAF]  }
0x28: {  	s2 =	sld [smem:$0x3FB0]  }
0x29: {  	s4 =	sld [smem:$0x3FB2]  }
0x2a: {  	p0 =	seq.s32 s5, $0x0;
	s5 =	sld [smem:$0x3FB3]  }
0x2b: {  	s6 =	sld [smem:$0x3FB4]  }
0x2c: {  	s7 =	sld [smem:$0x3FB5]  }
0x2d: {  	s3 =	simm.s32 $0x108;
	s8 =	sld [smem:$0x3FB6]  }
0x2e: {  	s3 =	simm.s32 @!p0 $0x1082;
	s9 =	sld [smem:$0x3FB7]  }
0x2f: {  	lr =	sadd.s32 s0, s3;
	s0 =	sld [smem:$0x3FAE]  }
0x30: {  	s3 =	sld [smem:$0x3FB1]  }
0x31: {  	[smem:$0x3FBA] =	sst s10  }
0x32: {  	s10 =	sld [smem:$0x3FB8];
	_ =	sdelay $0x3  }
0x33: {  	p0 =	seq.s32 s10, $0x1;
	s10 =	sld [smem:$0x3FBA];
	_ =	sdelay $0x3  }
0x34: {  	[smem:$0x3FBA] =	sst s10  }
0x35: {  	s10 =	sld [smem:$0x3FB9];
	_ =	sdelay $0x3  }
0x36: {  	p1 =	seq.s32 s10, $0x1;
	s10 =	sld [smem:$0x3FBA];
	_ =	sdelay $0x3  }
0x37: {  	[smem:$0x3FBA] =	sst s10  }
0x38: {  	s10 =	sld [smem:$0x3FBB]  }
0x39: {  	_ = 	snop;
	(pc) =	sbr.ind lr, $3  }
0x3a: {  	_ = 	snop  }
0x3b: {  	_ = 	snop  }
0x3c: {  	p2 =	seq.s32 s10, $0x1;
	s10 =	sld [smem:$0x3FBA]  }
0x3d: {  	_ =	shalt  }
0x3e: {  	_ =	shalt  }
0x3f: {  	_ =	shalt  }
0x40: {  	_ =	shalt  }
0x41: {  	_ =	shalt  }
0x42: {  	_ =	shalt  }
0x43: {  	_ =	shalt  }
0x44: {  	_ =	shalt  }
0x45: {  	_ =	shalt  }
0x46: {  	_ =	shalt  }
0x47: {  	_ =	shalt  }
0x48: {  	_ =	shalt  }
0x49: {  	_ =	shalt  }
0x4a: {  	_ =	shalt  }
0x4b: {  	_ =	shalt  }
0x4c: {  	_ =	shalt  }
0x4d: {  	_ =	shalt  }
0x4e: {  	_ =	shalt  }
0x4f: {  	_ =	shalt  }
0x50: {  	_ =	shalt  }
0x51: {  	_ =	shalt  }
0x52: {  	_ =	shalt  }
0x53: {  	_ =	shalt  }
0x54: {  	_ =	shalt  }
0x55: {  	_ =	shalt  }
0x56: {  	_ =	shalt  }
0x57: {  	_ =	shalt  }
0x58: {  	_ =	shalt  }
0x59: {  	_ =	shalt  }
0x5a: {  	_ =	shalt  }
0x5b: {  	_ =	shalt  }
0x5c: {  	_ =	shalt  }
0x5d: {  	_ =	shalt  }
0x5e: {  	_ =	shalt  }
0x5f: {  	_ =	shalt  }
0x60: {  	_ =	shalt  }
0x61: {  	_ =	shalt  }
0x62: {  	_ =	shalt  }
0x63: {  	_ =	shalt  }
0x64: {  	_ =	shalt  }
0x65: {  	_ =	shalt  }
0x66: {  	_ =	shalt  }
0x67: {  	_ =	shalt  }
0x68: {  	_ =	shalt  }
0x69: {  	_ =	shalt  }
0x6a: {  	_ =	shalt  }
0x6b: {  	_ =	shalt  }
0x6c: {  	_ =	shalt  }
0x6d: {  	_ =	shalt  }
0x6e: {  	_ =	shalt  }
0x6f: {  	_ =	shalt  }
0x70: {  	_ =	shalt  }
0x71: {  	_ =	shalt  }
0x72: {  	_ =	shalt  }
0x73: {  	_ =	shalt  }
0x74: {  	_ =	shalt  }
0x75: {  	_ =	shalt  }
0x76: {  	_ =	shalt  }
0x77: {  	_ =	shalt  }
0x78: {  	_ =	shalt  }
0x79: {  	_ =	shalt  }
0x7a: {  	_ =	shalt  }
0x7b: {  	_ =	shalt  }
0x7c: {  	_ =	shalt  }
0x7d: {  	_ =	shalt  }
0x7e: {  	_ =	shalt  }
0x7f: {  	_ =	shalt  }
0x80: {  	_ =	shalt  }
0x81: {  	_ =	shalt  }
0x82: {  	_ =	shalt  }
0x83: {  	_ =	shalt  }
0x84: {  	_ =	shalt  }
0x85: {  	_ =	shalt  }
0x86: {  	_ =	shalt  }
0x87: {  	_ =	shalt  }
.Lfunc_end0:
.L_simem_size_0:
called_computation_lowered:
.L_overlay_start_0:
0x88: {  	s2 =	sld [smem:$0x3FD9]  }
0x89: {  	s3 =	sld [smem:$0x3FFE];
	_ =	sdelay $0x1  }
0x8a: {  	s1 =	srdreg.scid  }
0x8b: {  	s0 =	sand.u32 $0x1, s1  }
0x8c: {  	s18 =	sshll.u32 s0, $0xA;
	s2 =	sadd.s32 s3, s2  }
0x8d: {  	s2 =	sadd.s32 s2, s18  }
0x8e: {  	[smem:$0x3FC6] =	sst s2  }
0x8f: {  	_ = 	snop  }
0x90: {  	s2 =	sld [smem:$0x3FC9]  }
0x91: {  	s19 =	sld [smem:$0x3FC8]  }
0x92: {  	s4 =	sld [smem:$0x3FD0];
	(tm) =	ssettm $0x1  }
0x93: {  	s5 =	sld [smem:$0x3FFB];
	_ =	sdelay $0x3  }
0x94: {  	_ =	strace s5  }
0x95: {  	s5 =	sld [smem:$0x3FFC];
	_ =	sdelay $0x3  }
0x96: {  	_ =	strace s5  }
0x97: {  	s5 =	sld [smem:$0x3FFD];
	_ =	sdelay $0x3  }
0x98: {  	_ =	strace s5  }
0x99: {  	_ =	strace $0x8FFFFFFF  }
0x9a: {  	s20 =	sld [smem:$0x3FDB];
	_ =	sdelay $0x1  }
0x9b: {  	s6 =	simm.s32 $_scs_section_size  }
0x9c: {  	s7 =	simm.s32 $_size__tile_overlayer_lowered;
	s8 =	simm.s32 $_tile_overlayer_lowered  }
0x9d: {  	s23 =	simm.s32 $0x1BFF;
	s22 =	sshll.u32 s8, $0x1;
	s5 =	sadd.s32 s6, s20  }
0x9e: {  	s9 =	simm.s32 $0x0;
	s21 =	sshll.u32 s7, $0x1;
	s7 =	sadd.s32 s22, s5  }
0x9f: {  	[timem:s9], [sflag:s23] =	dma.local [hbm:s7], s21  }
0xa0: {  	_ =	swait.ge [sflag:s23], s21  }
0xa1: {  	s6 =	ssub.s32 $0x0, s21;
	[sflag:s23] =	ssyncset.done $0x0  }
0xa2: {  	[sflag:s23] =	ssyncadd.s32 s6;
	_ =	sdelay $0x1  }
0xa3: {  	s24 =	simm.s32 $0x1B8B  }
0xa4: {  	_ =	swait.ge [sflag:s24], $0x1  }
0xa5: {  	[sflag:s24] =	ssyncset.done $0x0  }
0xa6: {  	s25 =	simm.s32 $0x1B8E;
	[sflag:s24] =	ssyncadd.s32 $0xFFFFFFFF  }
0xa7: {  	s26 =	simm.s32 $execute0_lowered;
	[smem:$0x3FD2] =	sst s25  }
0xa8: {  	s6 =	sshll.u32 s26, $0x1;
	_ =	strace $0x80000046;
	[dreg:$0x1] =	wrdreg $0xFFFFFFFF  }
0xa9: {  	s28 =	simm.s32 $_size_execute0_lowered;
	s5 =	sadd.s32 s5, s6;
	[dreg:$0x0] =	wrdreg $0x0  }
0xaa: {  	s6 =	sshll.u32 s28, $0x1;
	[dreg:$0x2] =	wrdreg s5  }
0xab: {  	[dreg:$0x3] =	wrdreg s6  }
0xac: {  	[dreg:$0x4] =	wrdreg $0xC0  }
0xad: {  	_ =	task [dreg:s9], $0x5FFFF  }
0xae: {  	[dreg:$0x1] =	wrdreg $0xFFFFFFFF  }
0xaf: {  	[dreg:$0x0] =	wrdreg $0x60  }
0xb0: {  	[dreg:$0x2] =	wrdreg s2  }
0xb1: {  	[dreg:$0x3] =	wrdreg s19  }
0xb2: {  	[dreg:$0x4] =	wrdreg s4  }
0xb3: {  	[dreg:$0x5] =	wrdreg $0x9  }
0xb4: {  	_ =	task.clear_ibuf [dreg:s9], $0x6FFFF;
	_ =	strace $0x90000046  }
0xb5: {  	s29 =	simm.s32 $0x9;
	_ =	strace $0x80000048  }
0xb6: {  	_ =	swait.ge [sflag:s29], $0x1  }
0xb7: {  	[sflag:s29] =	ssyncadd.s32 $0xFFFFFFFF  }
0xb8: {  	_ =	strace $0x90000048  }
0xb9: {  	_ =	sfence  }
0xba: {  	s30 =	sld [smem:$0x0];
	_ =	sdelay $0x2  }
0xbb: {  	s31 =	sshll.u32 s1, $0xD;
	s1 =	sshrl.u32 s1, $0x2  }
0xbc: {  	s3 =	sand.u32 $0x4000, s31;
	s1 =	sadd.s32 s1, s30  }
0xbd: {  	s0 =	sor.u32 s3, s0;
	s1 =	sshll.u32 s1, $0x11  }
0xbe: {  	s0 =	sor.u32 s1, s0  }
0xbf: {  	s0 =	sadd.s32 $0x8F2B, s0  }
0xc0: {  	[sflag:s0] =	ssyncadd.remote.s32 $0x1  }
0xc1: {  	_ =	sfence.sel $0xFFFF  }
0xc2: {  	[dreg:$0x0] =	wrdreg $0xFFFFFFFF;
	(pc) =	sbr.abs _section_cstart, $3  }
0xc3: {  	[dreg:$0x1] =	wrdreg $0xFFFFFFFF  }
0xc4: {  	_ =	task.clear_ibuf [dreg:s9], $0x2FFFF;
	_ =	strace $0x9FFFFFFF  }
0xc5: {  	(tm) =	ssettm $0x7FFFFFFF  }
tec
execute0_lowered:
.L_overlay_start_1:
0x0: {  	(tag) =	ssettag $0x1  }
0x1: {  	s1 =	rddreg [dreg:$0x0]  }
0x2: {  	s0 =	srdreg.scid;
	s2 =	rddreg [dreg:$0x1]  }
0x3: {  	s3 =	stileid.u32;
	s4 =	rddreg [dreg:$0x2]  }
0x4: {  	s15 =	simm.s32 $0xA00;
	s16 =	simm.s32 $0x1200;
	s17 =	simm.s32 $0x1A00  }
0x5: {  	s18 =	simm.s32 $0x2200;
	s19 =	simm.s32 $0x2A00;
	s20 =	simm.s32 $0x3200  }
0x6: {  	s21 =	simm.s32 $0x3A00;
	s28 =	simm.s32 $0x6A00;
	s29 =	simm.s32 $0x7200  }
0x7: {  	s30 =	simm.s32 $0x7A00;
	s31 =	simm.s32 $0x8200;
	s9 =	simm.s32 $0xA200  }
0x8: {  	s10 =	simm.s32 $0xB200;
	s0 =	sand.u32 $0x1, s0;
	s3 =	sshll.u32 s3, $0x1  }
0x9: {  	s11 =	simm.s32 $0xBA00;
	s12 =	simm.s32 $0xC200;
	s5 =	sor.u32 s0, s3  }
0xa: {  	s13 =	simm.s32 $0x1;
	s3 =	simm.s32 $0x0;
	s6 =	smul.u32 $0x6000, s5  }
0xb: {  	s0 =	ssub.s32 $0x2, s0;
	[smem:$0x7FF] =	sst s3;
	s7 =	smul.u32 $0x30000, s5  }
0xc: {  	s5 =	sshll.u32 s5, $0x6;
	s24 =	sshrl.u32 s0, $0x1;
	_ =	strace $0x80000047  }
0xd: {  	s2 =	sadd.s32 s2, s5;
	s0 =	ssub.s32 s0, s24;
	s5 =	sadd.s32 $0x100, s1  }
0xe: {  	s24 =	simm.s32 $0x5200;
	s6 =	sadd.s32 s4, s6;
	[dreg:$0x4] =	wrdreg s2  }
0xf: {  	s22 =	sshrl.u32 s7, $0x3;
	s8 =	smax.u32 s0, $0x1;
	[dreg:$0x8] =	wrdreg s6  }
0x10: {  	s23 =	sadd.s32 $0x1800, s6;
	s4 =	sadd.s32 s4, s22;
	s6 =	sadd.s32 $0x200, s1  }
0x11: {  	v2 =	vlaneseq.u32;
	s22 =	simm.s32 $0x4200;
	[dreg:$0x5] =	wrdreg s23;
	s25 =	sadd.s32 $0x3000, s4  }
0x12: {  	vm0 =	vmmov $0xffff;
	v1 =	vshrl.u32 v2, $0x3;
	s26 =	sadd.s32 $0x4800, s4;
	s23 =	simm.s32 $0x4A00;
	[dreg:$0x6] =	wrdreg s25  }
0x13: {  	v0 =	vand.u32 $0x7, v2;
	v2 =	vor.u32 $0x8, v2;
	v1 =	vmul.u32 $0x8, v1;
	[dreg:$0x7] =	wrdreg s26;
	s25 =	simm.s32 $0x5A00;
	s26 =	simm.s32 $0x6200  }
.LBB2_1:
0x14: {  	s14 =	rddreg [dreg:$0x4];
	s0 =	simm.s32 $0x5  }
0x15: {  	[tilespmem:s3], [sflag:$0x5] =	stream.linear.gather [hbm4b:s14+s3], $0x200, $0x38;
	[tilespmem:$0x18200] =	vst v63  }
0x16: {  	_ =	swait.ge [sflag:s0], $0x200  }
0x17: {  	[sflag:s0] =	ssyncset.done $0x0  }
0x18: {  	[sflag:s0] =	ssyncadd.s32 $0xFFFFFE00  }
0x19: {  	v3 =	vld [tilespmem:$0x0];
	_ =	sdelay $0x4  }
0x1a: {  	v4 =	vshrl.u32 v3, $0x3  }
0x1b: {  	v4 =	vmul.u32 $0x30, v4  }
0x1c: {  	v3 =	vand.u32 $0x7, v3  }
0x1d: {  	v3 =	vor.u32 v3, v4  }
0x1e: {  	v4 =	vperm.xlane v3, v0;
	_ =	sdelay $0x1  }
0x1f: {  	v4 =	vadd.s32 v1, v4;
	_ =	sdelay $0x3  }
0x20: {  	s2 =	simm.s32 $0x200;
	v3 =	vperm.xlane v3, v2  }
0x21: {  	[tilespmem:s2], [sflag:$0x1] =	stream.indirect_vreg.gather [hbm4b:s1+s3], $0x80, v4, vm0, $0xb8;
	[tilespmem:$0x18200] =	vst v63  }
0x22: {  	v3 =	vadd.s32 v1, v3  }
0x23: {  	[tilespmem:s15], [sflag:$0x1] =	stream.indirect_vreg.gather [hbm4b:s5+s3], $0x80, v4, vm0, $0xb8;
	[tilespmem:$0x18200] =	vst v63  }
0x24: {  	_ = 	snop  }
0x25: {  	[tilespmem:s16], [sflag:$0x1] =	stream.indirect_vreg.gather [hbm4b:s6+s3], $0x80, v4, vm0, $0xb8;
	[tilespmem:$0x18200] =	vst v63  }
0x26: {  	_ = 	snop  }
0x27: {  	[tilespmem:s17], [sflag:$0x1] =	stream.indirect_vreg.gather [hbm4b:s1+s3], $0x80, v3, vm0, $0xb8;
	[tilespmem:$0x18200] =	vst v63  }
0x28: {  	_ = 	snop  }
0x29: {  	[tilespmem:s18], [sflag:$0x1] =	stream.indirect_vreg.gather [hbm4b:s5+s3], $0x80, v3, vm0, $0xb8;
	[tilespmem:$0x18200] =	vst v63  }
0x2a: {  	_ = 	snop  }
0x2b: {  	[tilespmem:s19], [sflag:$0x1] =	stream.indirect_vreg.gather [hbm4b:s6+s3], $0x80, v3, vm0, $0xb8;
	[tilespmem:$0x18200] =	vst v63  }
0x2c: {  	v3 =	vld [tilespmem:$0x10];
	_ =	sdelay $0x4  }
0x2d: {  	v49 =	vshrl.u32 v3, $0x3  }
0x2e: {  	v4 =	vmul.u32 $0x30, v49  }
0x2f: {  	v3 =	vand.u32 $0x7, v3  }
0x30: {  	v3 =	vor.u32 v3, v4  }
0x31: {  	v4 =	vperm.xlane v3, v0;
	_ =	sdelay $0x1  }
0x32: {  	v4 =	vadd.s32 v1, v4;
	_ =	sdelay $0x3  }
0x33: {  	v3 =	vperm.xlane v3, v2  }
0x34: {  	[tilespmem:s20], [sflag:$0x1] =	stream.indirect_vreg.gather [hbm4b:s1+s3], $0x80, v4, vm0, $0xb8;
	[tilespmem:$0x18200] =	vst v63  }
0x35: {  	v3 =	vadd.s32 v1, v3  }
0x36: {  	[tilespmem:s21], [sflag:$0x1] =	stream.indirect_vreg.gather [hbm4b:s5+s3], $0x80, v4, vm0, $0xb8;
	[tilespmem:$0x18200] =	vst v63  }
0x37: {  	_ = 	snop  }
0x38: {  	[tilespmem:s22], [sflag:$0x1] =	stream.indirect_vreg.gather [hbm4b:s6+s3], $0x80, v4, vm0, $0xb8;
	[tilespmem:$0x18200] =	vst v63  }
0x39: {  	_ = 	snop  }
0x3a: {  	[tilespmem:s23], [sflag:$0x1] =	stream.indirect_vreg.gather [hbm4b:s1+s3], $0x80, v3, vm0, $0xb8;
	[tilespmem:$0x18200] =	vst v63  }
0x3b: {  	_ = 	snop  }
0x3c: {  	[tilespmem:s24], [sflag:$0x1] =	stream.indirect_vreg.gather [hbm4b:s5+s3], $0x80, v3, vm0, $0xb8;
	[tilespmem:$0x18200] =	vst v63  }
0x3d: {  	_ = 	snop  }
0x3e: {  	[tilespmem:s25], [sflag:$0x1] =	stream.indirect_vreg.gather [hbm4b:s6+s3], $0x80, v3, vm0, $0xb8;
	[tilespmem:$0x18200] =	vst v63  }
0x3f: {  	v3 =	vld [tilespmem:$0x20];
	_ =	sdelay $0x4  }
0x40: {  	v50 =	vshrl.u32 v3, $0x3  }
0x41: {  	v4 =	vmul.u32 $0x30, v50  }
0x42: {  	v3 =	vand.u32 $0x7, v3  }
0x43: {  	v3 =	vor.u32 v3, v4  }
0x44: {  	v4 =	vperm.xlane v3, v0;
	_ =	sdelay $0x1  }
0x45: {  	v4 =	vadd.s32 v1, v4;
	_ =	sdelay $0x3  }
0x46: {  	v3 =	vperm.xlane v3, v2  }
0x47: {  	[tilespmem:s26], [sflag:$0x1] =	stream.indirect_vreg.gather [hbm4b:s1+s3], $0x80, v4, vm0, $0xb8;
	[tilespmem:$0x18200] =	vst v63  }
0x48: {  	v3 =	vadd.s32 v1, v3  }
0x49: {  	[tilespmem:s28], [sflag:$0x1] =	stream.indirect_vreg.gather [hbm4b:s5+s3], $0x80, v4, vm0, $0xb8;
	[tilespmem:$0x18200] =	vst v63  }
0x4a: {  	_ = 	snop  }
0x4b: {  	[tilespmem:s29], [sflag:$0x1] =	stream.indirect_vreg.gather [hbm4b:s6+s3], $0x80, v4, vm0, $0xb8;
	[tilespmem:$0x18200] =	vst v63  }
0x4c: {  	_ = 	snop  }
0x4d: {  	[tilespmem:s30], [sflag:$0x1] =	stream.indirect_vreg.gather [hbm4b:s1+s3], $0x80, v3, vm0, $0xb8;
	[tilespmem:$0x18200] =	vst v63  }
0x4e: {  	_ = 	snop  }
0x4f: {  	[tilespmem:s31], [sflag:$0x1] =	stream.indirect_vreg.gather [hbm4b:s5+s3], $0x80, v3, vm0, $0xb8;
	[tilespmem:$0x18200] =	vst v63  }
0x50: {  	s2 =	simm.s32 $0x8A00  }
0x51: {  	[tilespmem:s2], [sflag:$0x1] =	stream.indirect_vreg.gather [hbm4b:s6+s3], $0x80, v3, vm0, $0xb8;
	[tilespmem:$0x18200] =	vst v63  }
0x52: {  	v3 =	vld [tilespmem:$0x30];
	_ =	sdelay $0x4  }
0x53: {  	v51 =	vshrl.u32 v3, $0x3  }
0x54: {  	v4 =	vmul.u32 $0x30, v51  }
0x55: {  	v3 =	vand.u32 $0x7, v3  }
0x56: {  	v3 =	vor.u32 v3, v4  }
0x57: {  	v4 =	vperm.xlane v3, v0;
	_ =	sdelay $0x1  }
0x58: {  	v4 =	vadd.s32 v1, v4;
	_ =	sdelay $0x3  }
0x59: {  	s4 =	simm.s32 $0x9200;
	v3 =	vperm.xlane v3, v2  }
0x5a: {  	[tilespmem:s4], [sflag:$0x1] =	stream.indirect_vreg.gather [hbm4b:s1+s3], $0x80, v4, vm0, $0xb8;
	[tilespmem:$0x18200] =	vst v63  }
0x5b: {  	s7 =	simm.s32 $0x9A00;
	v3 =	vadd.s32 v1, v3  }
0x5c: {  	[tilespmem:s7], [sflag:$0x1] =	stream.indirect_vreg.gather [hbm4b:s5+s3], $0x80, v4, vm0, $0xb8;
	[tilespmem:$0x18200] =	vst v63  }
0x5d: {  	_ = 	snop  }
0x5e: {  	[tilespmem:s9], [sflag:$0x1] =	stream.indirect_vreg.gather [hbm4b:s6+s3], $0x80, v4, vm0, $0xb8;
	[tilespmem:$0x18200] =	vst v63  }
0x5f: {  	s4 =	simm.s32 $0xAA00  }
0x60: {  	[tilespmem:s4], [sflag:$0x1] =	stream.indirect_vreg.gather [hbm4b:s1+s3], $0x80, v3, vm0, $0xb8;
	[tilespmem:$0x18200] =	vst v63  }
0x61: {  	_ = 	snop  }
0x62: {  	[tilespmem:s10], [sflag:$0x1] =	stream.indirect_vreg.gather [hbm4b:s5+s3], $0x80, v3, vm0, $0xb8;
	[tilespmem:$0x18200] =	vst v63  }
0x63: {  	_ = 	snop  }
0x64: {  	[tilespmem:s11], [sflag:$0x1] =	stream.indirect_vreg.gather [hbm4b:s6+s3], $0x80, v3, vm0, $0xb8;
	[tilespmem:$0x18200] =	vst v63  }
0x65: {  	v3 =	vld [tilespmem:$0x80];
	_ =	sdelay $0x4  }
0x66: {  	v52 =	vshrl.u32 v3, $0x3  }
0x67: {  	v4 =	vmul.u32 $0x30, v52  }
0x68: {  	v3 =	vand.u32 $0x7, v3  }
0x69: {  	v3 =	vor.u32 v3, v4  }
0x6a: {  	v4 =	vperm.xlane v3, v0;
	_ =	sdelay $0x1  }
0x6b: {  	v4 =	vadd.s32 v1, v4;
	_ =	sdelay $0x3  }
0x6c: {  	v3 =	vperm.xlane v3, v2  }
0x6d: {  	[tilespmem:s12], [sflag:$0x2] =	stream.indirect_vreg.gather [hbm4b:s1+s3], $0x80, v4, vm0, $0xb8;
	[tilespmem:$0x18200] =	vst v63  }
0x6e: {  	s14 =	simm.s32 $0xCA00;
	v3 =	vadd.s32 v1, v3  }
0x6f: {  	[tilespmem:s14], [sflag:$0x2] =	stream.indirect_vreg.gather [hbm4b:s5+s3], $0x80, v4, vm0, $0xb8;
	[tilespmem:$0x18200] =	vst v63  }
0x70: {  	s7 =	simm.s32 $0xD200  }
0x71: {  	[tilespmem:s7], [sflag:$0x2] =	stream.indirect_vreg.gather [hbm4b:s6+s3], $0x80, v4, vm0, $0xb8;
	[tilespmem:$0x18200] =	vst v63  }
0x72: {  	s14 =	simm.s32 $0xDA00  }
0x73: {  	[tilespmem:s14], [sflag:$0x2] =	stream.indirect_vreg.gather [hbm4b:s1+s3], $0x80, v3, vm0, $0xb8;
	[tilespmem:$0x18200] =	vst v63  }
0x74: {  	s7 =	simm.s32 $0xE200  }
0x75: {  	[tilespmem:s7], [sflag:$0x2] =	stream.indirect_vreg.gather [hbm4b:s5+s3], $0x80, v3, vm0, $0xb8;
	[tilespmem:$0x18200] =	vst v63  }
0x76: {  	s14 =	simm.s32 $0xEA00  }
0x77: {  	[tilespmem:s14], [sflag:$0x2] =	stream.indirect_vreg.gather [hbm4b:s6+s3], $0x80, v3, vm0, $0xb8;
	[tilespmem:$0x18200] =	vst v63  }
0x78: {  	v3 =	vld [tilespmem:$0x90];
	_ =	sdelay $0x4  }
0x79: {  	v53 =	vshrl.u32 v3, $0x3  }
0x7a: {  	v4 =	vmul.u32 $0x30, v53  }
0x7b: {  	v3 =	vand.u32 $0x7, v3  }
0x7c: {  	v3 =	vor.u32 v3, v4  }
0x7d: {  	v4 =	vperm.xlane v3, v0;
	_ =	sdelay $0x1  }
0x7e: {  	v4 =	vadd.s32 v1, v4;
	_ =	sdelay $0x3  }
0x7f: {  	s7 =	simm.s32 $0xF200;
	v3 =	vperm.xlane v3, v2  }
0x80: {  	[tilespmem:s7], [sflag:$0x2] =	stream.indirect_vreg.gather [hbm4b:s1+s3], $0x80, v4, vm0, $0xb8;
	[tilespmem:$0x18200] =	vst v63  }
0x81: {  	s14 =	simm.s32 $0xFA00;
	v3 =	vadd.s32 v1, v3  }
0x82: {  	[tilespmem:s14], [sflag:$0x2] =	stream.indirect_vreg.gather [hbm4b:s5+s3], $0x80, v4, vm0, $0xb8;
	[tilespmem:$0x18200] =	vst v63  }
0x83: {  	s7 =	simm.s32 $0x10200  }
0x84: {  	[tilespmem:s7], [sflag:$0x2] =	stream.indirect_vreg.gather [hbm4b:s6+s3], $0x80, v4, vm0, $0xb8;
	[tilespmem:$0x18200] =	vst v63  }
0x85: {  	s14 =	simm.s32 $0x10A00  }
0x86: {  	[tilespmem:s14], [sflag:$0x2] =	stream.indirect_vreg.gather [hbm4b:s1+s3], $0x80, v3, vm0, $0xb8;
	[tilespmem:$0x18200] =	vst v63  }
0x87: {  	s7 =	simm.s32 $0x11200  }
0x88: {  	[tilespmem:s7], [sflag:$0x2] =	stream.indirect_vreg.gather [hbm4b:s5+s3], $0x80, v3, vm0, $0xb8;
	[tilespmem:$0x18200] =	vst v63  }
0x89: {  	s14 =	simm.s32 $0x11A00  }
0x8a: {  	[tilespmem:s14], [sflag:$0x2] =	stream.indirect_vreg.gather [hbm4b:s6+s3], $0x80, v3, vm0, $0xb8;
	[tilespmem:$0x18200] =	vst v63  }
0x8b: {  	v3 =	vld [tilespmem:$0xA0];
	_ =	sdelay $0x4  }
0x8c: {  	v54 =	vshrl.u32 v3, $0x3  }
0x8d: {  	v4 =	vmul.u32 $0x30, v54  }
0x8e: {  	v3 =	vand.u32 $0x7, v3  }
0x8f: {  	v3 =	vor.u32 v3, v4  }
0x90: {  	v4 =	vperm.xlane v3, v0;
	_ =	sdelay $0x1  }
0x91: {  	v4 =	vadd.s32 v1, v4;
	_ =	sdelay $0x3  }
0x92: {  	s7 =	simm.s32 $0x12200;
	v3 =	vperm.xlane v3, v2  }
0x93: {  	[tilespmem:s7], [sflag:$0x2] =	stream.indirect_vreg.gather [hbm4b:s1+s3], $0x80, v4, vm0, $0xb8;
	[tilespmem:$0x18200] =	vst v63  }
0x94: {  	s14 =	simm.s32 $0x12A00;
	v3 =	vadd.s32 v1, v3  }
0x95: {  	[tilespmem:s14], [sflag:$0x2] =	stream.indirect_vreg.gather [hbm4b:s5+s3], $0x80, v4, vm0, $0xb8;
	[tilespmem:$0x18200] =	vst v63  }
0x96: {  	s7 =	simm.s32 $0x13200  }
0x97: {  	[tilespmem:s7], [sflag:$0x2] =	stream.indirect_vreg.gather [hbm4b:s6+s3], $0x80, v4, vm0, $0xb8;
	[tilespmem:$0x18200] =	vst v63  }
0x98: {  	s14 =	simm.s32 $0x13A00  }
0x99: {  	[tilespmem:s14], [sflag:$0x2] =	stream.indirect_vreg.gather [hbm4b:s1+s3], $0x80, v3, vm0, $0xb8;
	[tilespmem:$0x18200] =	vst v63  }
0x9a: {  	s7 =	simm.s32 $0x14200  }
0x9b: {  	[tilespmem:s7], [sflag:$0x2] =	stream.indirect_vreg.gather [hbm4b:s5+s3], $0x80, v3, vm0, $0xb8;
	[tilespmem:$0x18200] =	vst v63  }
0x9c: {  	s14 =	simm.s32 $0x14A00  }
0x9d: {  	[tilespmem:s14], [sflag:$0x2] =	stream.indirect_vreg.gather [hbm4b:s6+s3], $0x80, v3, vm0, $0xb8;
	[tilespmem:$0x18200] =	vst v63  }
0x9e: {  	v3 =	vld [tilespmem:$0xB0];
	_ =	sdelay $0x4  }
0x9f: {  	v55 =	vshrl.u32 v3, $0x3  }
0xa0: {  	v4 =	vmul.u32 $0x30, v55  }
0xa1: {  	v3 =	vand.u32 $0x7, v3  }
0xa2: {  	v3 =	vor.u32 v3, v4  }
0xa3: {  	v4 =	vperm.xlane v3, v0;
	_ =	sdelay $0x1  }
0xa4: {  	v4 =	vadd.s32 v1, v4;
	_ =	sdelay $0x3  }
0xa5: {  	s7 =	simm.s32 $0x15200;
	v3 =	vperm.xlane v3, v2  }
0xa6: {  	[tilespmem:s7], [sflag:$0x2] =	stream.indirect_vreg.gather [hbm4b:s1+s3], $0x80, v4, vm0, $0xb8;
	[tilespmem:$0x18200] =	vst v63  }
0xa7: {  	s14 =	simm.s32 $0x15A00;
	v3 =	vadd.s32 v1, v3  }
0xa8: {  	[tilespmem:s14], [sflag:$0x2] =	stream.indirect_vreg.gather [hbm4b:s5+s3], $0x80, v4, vm0, $0xb8;
	[tilespmem:$0x18200] =	vst v63  }
0xa9: {  	s7 =	simm.s32 $0x16200  }
0xaa: {  	[tilespmem:s7], [sflag:$0x2] =	stream.indirect_vreg.gather [hbm4b:s6+s3], $0x80, v4, vm0, $0xb8;
	[tilespmem:$0x18200] =	vst v63  }
0xab: {  	s14 =	simm.s32 $0x16A00  }
0xac: {  	[tilespmem:s14], [sflag:$0x2] =	stream.indirect_vreg.gather [hbm4b:s1+s3], $0x80, v3, vm0, $0xb8;
	[tilespmem:$0x18200] =	vst v63  }
0xad: {  	s7 =	simm.s32 $0x17200  }
0xae: {  	[tilespmem:s7], [sflag:$0x2] =	stream.indirect_vreg.gather [hbm4b:s5+s3], $0x80, v3, vm0, $0xb8;
	[tilespmem:$0x18200] =	vst v63  }
0xaf: {  	s14 =	simm.s32 $0x17A00  }
0xb0: {  	[tilespmem:s14], [sflag:$0x2] =	stream.indirect_vreg.gather [hbm4b:s6+s3], $0x80, v3, vm0, $0xb8;
	[tilespmem:$0x18200] =	vst v63  }
0xb1: {  	_ =	swait.ge [sflag:s13], $0xC000  }
0xb2: {  	[sflag:s13] =	ssyncset.done $0x0  }
0xb3: {  	s7 =	simm.s32 $0x200;
	s0 =	rddreg [dreg:$0x8];
	[sflag:s13] =	ssyncadd.s32 $0xFFFF4000  }
0xb4: {  	[hbm4b:s0+s3] =	stream.linear.scatter [tilespmem:s7], [sflag:$0x3], $0xC000, $0x38;
	[tilespmem:$0x18200] =	vst v63  }
0xb5: {  	s0 =	simm.s32 $0x3  }
0xb6: {  	_ =	swait.ge [sflag:s0], $0xC000  }
0xb7: {  	[sflag:s0] =	ssyncset.done $0x0  }
0xb8: {  	[sflag:s0] =	ssyncadd.s32 $0xFFFF4000  }
0xb9: {  	v3 =	vld [tilespmem:$0x100];
	_ =	sdelay $0x4  }
0xba: {  	v56 =	vshrl.u32 v3, $0x3  }
0xbb: {  	v4 =	vmul.u32 $0x30, v56  }
0xbc: {  	v3 =	vand.u32 $0x7, v3  }
0xbd: {  	v3 =	vor.u32 v3, v4  }
0xbe: {  	v4 =	vperm.xlane v3, v0;
	_ =	sdelay $0x1  }
0xbf: {  	v4 =	vadd.s32 v1, v4;
	_ =	sdelay $0x3  }
0xc0: {  	v3 =	vperm.xlane v3, v2  }
0xc1: {  	[tilespmem:s7], [sflag:$0x1] =	stream.indirect_vreg.gather [hbm4b:s1+s3], $0x80, v4, vm0, $0xb8;
	[tilespmem:$0x18200] =	vst v63  }
0xc2: {  	v3 =	vadd.s32 v1, v3  }
0xc3: {  	[tilespmem:s15], [sflag:$0x1] =	stream.indirect_vreg.gather [hbm4b:s5+s3], $0x80, v4, vm0, $0xb8;
	[tilespmem:$0x18200] =	vst v63  }
0xc4: {  	_ = 	snop  }
0xc5: {  	[tilespmem:s16], [sflag:$0x1] =	stream.indirect_vreg.gather [hbm4b:s6+s3], $0x80, v4, vm0, $0xb8;
	[tilespmem:$0x18200] =	vst v63  }
0xc6: {  	_ = 	snop  }
0xc7: {  	[tilespmem:s17], [sflag:$0x1] =	stream.indirect_vreg.gather [hbm4b:s1+s3], $0x80, v3, vm0, $0xb8;
	[tilespmem:$0x18200] =	vst v63  }
0xc8: {  	_ = 	snop  }
0xc9: {  	[tilespmem:s18], [sflag:$0x1] =	stream.indirect_vreg.gather [hbm4b:s5+s3], $0x80, v3, vm0, $0xb8;
	[tilespmem:$0x18200] =	vst v63  }
0xca: {  	_ = 	snop  }
0xcb: {  	[tilespmem:s19], [sflag:$0x1] =	stream.indirect_vreg.gather [hbm4b:s6+s3], $0x80, v3, vm0, $0xb8;
	[tilespmem:$0x18200] =	vst v63  }
0xcc: {  	v3 =	vld [tilespmem:$0x110];
	_ =	sdelay $0x4  }
0xcd: {  	v57 =	vshrl.u32 v3, $0x3  }
0xce: {  	v4 =	vmul.u32 $0x30, v57  }
0xcf: {  	v3 =	vand.u32 $0x7, v3  }
0xd0: {  	v3 =	vor.u32 v3, v4  }
0xd1: {  	v4 =	vperm.xlane v3, v0;
	_ =	sdelay $0x1  }
0xd2: {  	v4 =	vadd.s32 v1, v4;
	_ =	sdelay $0x3  }
0xd3: {  	v3 =	vperm.xlane v3, v2  }
0xd4: {  	[tilespmem:s20], [sflag:$0x1] =	stream.indirect_vreg.gather [hbm4b:s1+s3], $0x80, v4, vm0, $0xb8;
	[tilespmem:$0x18200] =	vst v63  }
0xd5: {  	v3 =	vadd.s32 v1, v3  }
0xd6: {  	[tilespmem:s21], [sflag:$0x1] =	stream.indirect_vreg.gather [hbm4b:s5+s3], $0x80, v4, vm0, $0xb8;
	[tilespmem:$0x18200] =	vst v63  }
0xd7: {  	_ = 	snop  }
0xd8: {  	[tilespmem:s22], [sflag:$0x1] =	stream.indirect_vreg.gather [hbm4b:s6+s3], $0x80, v4, vm0, $0xb8;
	[tilespmem:$0x18200] =	vst v63  }
0xd9: {  	_ = 	snop  }
0xda: {  	[tilespmem:s23], [sflag:$0x1] =	stream.indirect_vreg.gather [hbm4b:s1+s3], $0x80, v3, vm0, $0xb8;
	[tilespmem:$0x18200] =	vst v63  }
0xdb: {  	_ = 	snop  }
0xdc: {  	[tilespmem:s24], [sflag:$0x1] =	stream.indirect_vreg.gather [hbm4b:s5+s3], $0x80, v3, vm0, $0xb8;
	[tilespmem:$0x18200] =	vst v63  }
0xdd: {  	_ = 	snop  }
0xde: {  	[tilespmem:s25], [sflag:$0x1] =	stream.indirect_vreg.gather [hbm4b:s6+s3], $0x80, v3, vm0, $0xb8;
	[tilespmem:$0x18200] =	vst v63  }
0xdf: {  	v3 =	vld [tilespmem:$0x120];
	_ =	sdelay $0x4  }
0xe0: {  	v58 =	vshrl.u32 v3, $0x3  }
0xe1: {  	v4 =	vmul.u32 $0x30, v58  }
0xe2: {  	v3 =	vand.u32 $0x7, v3  }
0xe3: {  	v3 =	vor.u32 v3, v4  }
0xe4: {  	v4 =	vperm.xlane v3, v0;
	_ =	sdelay $0x1  }
0xe5: {  	v4 =	vadd.s32 v1, v4;
	_ =	sdelay $0x3  }
0xe6: {  	v3 =	vperm.xlane v3, v2  }
0xe7: {  	[tilespmem:s26], [sflag:$0x1] =	stream.indirect_vreg.gather [hbm4b:s1+s3], $0x80, v4, vm0, $0xb8;
	[tilespmem:$0x18200] =	vst v63  }
0xe8: {  	v3 =	vadd.s32 v1, v3  }
0xe9: {  	[tilespmem:s28], [sflag:$0x1] =	stream.indirect_vreg.gather [hbm4b:s5+s3], $0x80, v4, vm0, $0xb8;
	[tilespmem:$0x18200] =	vst v63  }
0xea: {  	_ = 	snop  }
0xeb: {  	[tilespmem:s29], [sflag:$0x1] =	stream.indirect_vreg.gather [hbm4b:s6+s3], $0x80, v4, vm0, $0xb8;
	[tilespmem:$0x18200] =	vst v63  }
0xec: {  	_ = 	snop  }
0xed: {  	[tilespmem:s30], [sflag:$0x1] =	stream.indirect_vreg.gather [hbm4b:s1+s3], $0x80, v3, vm0, $0xb8;
	[tilespmem:$0x18200] =	vst v63  }
0xee: {  	_ = 	snop  }
0xef: {  	[tilespmem:s31], [sflag:$0x1] =	stream.indirect_vreg.gather [hbm4b:s5+s3], $0x80, v3, vm0, $0xb8;
	[tilespmem:$0x18200] =	vst v63  }
0xf0: {  	_ = 	snop  }
0xf1: {  	[tilespmem:s2], [sflag:$0x1] =	stream.indirect_vreg.gather [hbm4b:s6+s3], $0x80, v3, vm0, $0xb8;
	[tilespmem:$0x18200] =	vst v63  }
0xf2: {  	v3 =	vld [tilespmem:$0x130];
	_ =	sdelay $0x4  }
0xf3: {  	v59 =	vshrl.u32 v3, $0x3  }
0xf4: {  	v4 =	vmul.u32 $0x30, v59  }
0xf5: {  	v3 =	vand.u32 $0x7, v3  }
0xf6: {  	v3 =	vor.u32 v3, v4  }
0xf7: {  	v4 =	vperm.xlane v3, v0;
	_ =	sdelay $0x1  }
0xf8: {  	v4 =	vadd.s32 v1, v4;
	_ =	sdelay $0x3  }
0xf9: {  	s7 =	simm.s32 $0x9200;
	v3 =	vperm.xlane v3, v2  }
0xfa: {  	[tilespmem:s7], [sflag:$0x1] =	stream.indirect_vreg.gather [hbm4b:s1+s3], $0x80, v4, vm0, $0xb8;
	[tilespmem:$0x18200] =	vst v63  }
0xfb: {  	s14 =	simm.s32 $0x9A00;
	v3 =	vadd.s32 v1, v3  }
0xfc: {  	[tilespmem:s14], [sflag:$0x1] =	stream.indirect_vreg.gather [hbm4b:s5+s3], $0x80, v4, vm0, $0xb8;
	[tilespmem:$0x18200] =	vst v63  }
0xfd: {  	_ = 	snop  }
0xfe: {  	[tilespmem:s9], [sflag:$0x1] =	stream.indirect_vreg.gather [hbm4b:s6+s3], $0x80, v4, vm0, $0xb8;
	[tilespmem:$0x18200] =	vst v63  }
0xff: {  	_ = 	snop  }
0x100: {  	[tilespmem:s4], [sflag:$0x1] =	stream.indirect_vreg.gather [hbm4b:s1+s3], $0x80, v3, vm0, $0xb8;
	[tilespmem:$0x18200] =	vst v63  }
0x101: {  	_ = 	snop  }
0x102: {  	[tilespmem:s10], [sflag:$0x1] =	stream.indirect_vreg.gather [hbm4b:s5+s3], $0x80, v3, vm0, $0xb8;
	[tilespmem:$0x18200] =	vst v63  }
0x103: {  	s2 =	simm.s32 $0x2  }
0x104: {  	[tilespmem:s11], [sflag:$0x1] =	stream.indirect_vreg.gather [hbm4b:s6+s3], $0x80, v3, vm0, $0xb8;
	[tilespmem:$0x18200] =	vst v63  }
0x105: {  	_ =	swait.ge [sflag:s2], $0xC000  }
0x106: {  	[sflag:s2] =	ssyncset.done $0x0  }
0x107: {  	s4 =	simm.s32 $0x4;
	s7 =	rddreg [dreg:$0x5];
	[sflag:s2] =	ssyncadd.s32 $0xFFFF4000  }
0x108: {  	[hbm4b:s7+s3] =	stream.linear.scatter [tilespmem:s12], [sflag:$0x4], $0xC000, $0x38;
	[tilespmem:$0x18200] =	vst v63  }
0x109: {  	_ =	swait.ge [sflag:s4], $0xC000  }
0x10a: {  	[sflag:s4] =	ssyncset.done $0x0  }
0x10b: {  	[sflag:s4] =	ssyncadd.s32 $0xFFFF4000  }
0x10c: {  	v3 =	vld [tilespmem:$0x180];
	_ =	sdelay $0x4  }
0x10d: {  	v60 =	vshrl.u32 v3, $0x3  }
0x10e: {  	v4 =	vmul.u32 $0x30, v60  }
0x10f: {  	v3 =	vand.u32 $0x7, v3  }
0x110: {  	v3 =	vor.u32 v3, v4  }
0x111: {  	v4 =	vperm.xlane v3, v0;
	_ =	sdelay $0x1  }
0x112: {  	v4 =	vadd.s32 v1, v4;
	_ =	sdelay $0x3  }
0x113: {  	v3 =	vperm.xlane v3, v2  }
0x114: {  	[tilespmem:s12], [sflag:$0x2] =	stream.indirect_vreg.gather [hbm4b:s1+s3], $0x80, v4, vm0, $0xb8;
	[tilespmem:$0x18200] =	vst v63  }
0x115: {  	s14 =	simm.s32 $0xCA00;
	v3 =	vadd.s32 v1, v3  }
0x116: {  	[tilespmem:s14], [sflag:$0x2] =	stream.indirect_vreg.gather [hbm4b:s5+s3], $0x80, v4, vm0, $0xb8;
	[tilespmem:$0x18200] =	vst v63  }
0x117: {  	s14 =	simm.s32 $0xD200  }
0x118: {  	[tilespmem:s14], [sflag:$0x2] =	stream.indirect_vreg.gather [hbm4b:s6+s3], $0x80, v4, vm0, $0xb8;
	[tilespmem:$0x18200] =	vst v63  }
0x119: {  	s14 =	simm.s32 $0xDA00  }
0x11a: {  	[tilespmem:s14], [sflag:$0x2] =	stream.indirect_vreg.gather [hbm4b:s1+s3], $0x80, v3, vm0, $0xb8;
	[tilespmem:$0x18200] =	vst v63  }
0x11b: {  	s14 =	simm.s32 $0xE200  }
0x11c: {  	[tilespmem:s14], [sflag:$0x2] =	stream.indirect_vreg.gather [hbm4b:s5+s3], $0x80, v3, vm0, $0xb8;
	[tilespmem:$0x18200] =	vst v63  }
0x11d: {  	s14 =	simm.s32 $0xEA00  }
0x11e: {  	[tilespmem:s14], [sflag:$0x2] =	stream.indirect_vreg.gather [hbm4b:s6+s3], $0x80, v3, vm0, $0xb8;
	[tilespmem:$0x18200] =	vst v63  }
0x11f: {  	v3 =	vld [tilespmem:$0x190];
	_ =	sdelay $0x4  }
0x120: {  	v61 =	vshrl.u32 v3, $0x3  }
0x121: {  	v4 =	vmul.u32 $0x30, v61  }
0x122: {  	v3 =	vand.u32 $0x7, v3  }
0x123: {  	v3 =	vor.u32 v3, v4  }
0x124: {  	v4 =	vperm.xlane v3, v0;
	_ =	sdelay $0x1  }
0x125: {  	v4 =	vadd.s32 v1, v4;
	_ =	sdelay $0x3  }
0x126: {  	s14 =	simm.s32 $0xF200;
	v3 =	vperm.xlane v3, v2  }
0x127: {  	[tilespmem:s14], [sflag:$0x2] =	stream.indirect_vreg.gather [hbm4b:s1+s3], $0x80, v4, vm0, $0xb8;
	[tilespmem:$0x18200] =	vst v63  }
0x128: {  	v3 =	vadd.s32 v1, v3;
	s14 =	simm.s32 $0xFA00  }
0x129: {  	[tilespmem:s14], [sflag:$0x2] =	stream.indirect_vreg.gather [hbm4b:s5+s3], $0x80, v4, vm0, $0xb8;
	[tilespmem:$0x18200] =	vst v63  }
0x12a: {  	s14 =	simm.s32 $0x10200  }
0x12b: {  	[tilespmem:s14], [sflag:$0x2] =	stream.indirect_vreg.gather [hbm4b:s6+s3], $0x80, v4, vm0, $0xb8;
	[tilespmem:$0x18200] =	vst v63  }
0x12c: {  	s14 =	simm.s32 $0x10A00  }
0x12d: {  	[tilespmem:s14], [sflag:$0x2] =	stream.indirect_vreg.gather [hbm4b:s1+s3], $0x80, v3, vm0, $0xb8;
	[tilespmem:$0x18200] =	vst v63  }
0x12e: {  	s14 =	simm.s32 $0x11200  }
0x12f: {  	[tilespmem:s14], [sflag:$0x2] =	stream.indirect_vreg.gather [hbm4b:s5+s3], $0x80, v3, vm0, $0xb8;
	[tilespmem:$0x18200] =	vst v63  }
0x130: {  	s14 =	simm.s32 $0x11A00  }
0x131: {  	[tilespmem:s14], [sflag:$0x2] =	stream.indirect_vreg.gather [hbm4b:s6+s3], $0x80, v3, vm0, $0xb8;
	[tilespmem:$0x18200] =	vst v63  }
0x132: {  	v3 =	vld [tilespmem:$0x1A0];
	_ =	sdelay $0x4  }
0x133: {  	v62 =	vshrl.u32 v3, $0x3  }
0x134: {  	v4 =	vmul.u32 $0x30, v62  }
0x135: {  	v3 =	vand.u32 $0x7, v3  }
0x136: {  	v3 =	vor.u32 v3, v4  }
0x137: {  	v4 =	vperm.xlane v3, v0;
	_ =	sdelay $0x1  }
0x138: {  	v4 =	vadd.s32 v1, v4;
	_ =	sdelay $0x3  }
0x139: {  	s14 =	simm.s32 $0x12200;
	v3 =	vperm.xlane v3, v2  }
0x13a: {  	[tilespmem:s14], [sflag:$0x2] =	stream.indirect_vreg.gather [hbm4b:s1+s3], $0x80, v4, vm0, $0xb8;
	[tilespmem:$0x18200] =	vst v63  }
0x13b: {  	v3 =	vadd.s32 v1, v3;
	s14 =	simm.s32 $0x12A00  }
0x13c: {  	[tilespmem:s14], [sflag:$0x2] =	stream.indirect_vreg.gather [hbm4b:s5+s3], $0x80, v4, vm0, $0xb8;
	[tilespmem:$0x18200] =	vst v63  }
0x13d: {  	s14 =	simm.s32 $0x13200  }
0x13e: {  	[tilespmem:s14], [sflag:$0x2] =	stream.indirect_vreg.gather [hbm4b:s6+s3], $0x80, v4, vm0, $0xb8;
	[tilespmem:$0x18200] =	vst v63  }
0x13f: {  	s14 =	simm.s32 $0x13A00  }
0x140: {  	[tilespmem:s14], [sflag:$0x2] =	stream.indirect_vreg.gather [hbm4b:s1+s3], $0x80, v3, vm0, $0xb8;
	[tilespmem:$0x18200] =	vst v63  }
0x141: {  	s14 =	simm.s32 $0x14200  }
0x142: {  	[tilespmem:s14], [sflag:$0x2] =	stream.indirect_vreg.gather [hbm4b:s5+s3], $0x80, v3, vm0, $0xb8;
	[tilespmem:$0x18200] =	vst v63  }
0x143: {  	s14 =	simm.s32 $0x14A00  }
0x144: {  	[tilespmem:s14], [sflag:$0x2] =	stream.indirect_vreg.gather [hbm4b:s6+s3], $0x80, v3, vm0, $0xb8;
	[tilespmem:$0x18200] =	vst v63  }
0x145: {  	v3 =	vld [tilespmem:$0x1B0];
	_ =	sdelay $0x4  }
0x146: {  	v63 =	vshrl.u32 v3, $0x3  }
0x147: {  	v4 =	vmul.u32 $0x30, v63  }
0x148: {  	v3 =	vand.u32 $0x7, v3  }
0x149: {  	v3 =	vor.u32 v3, v4  }
0x14a: {  	v4 =	vperm.xlane v3, v0;
	_ =	sdelay $0x1  }
0x14b: {  	v4 =	vadd.s32 v1, v4;
	_ =	sdelay $0x3  }
0x14c: {  	s14 =	simm.s32 $0x15200;
	v3 =	vperm.xlane v3, v2  }
0x14d: {  	[tilespmem:s14], [sflag:$0x2] =	stream.indirect_vreg.gather [hbm4b:s1+s3], $0x80, v4, vm0, $0xb8;
	[tilespmem:$0x18200] =	vst v63  }
0x14e: {  	v3 =	vadd.s32 v1, v3;
	s14 =	simm.s32 $0x15A00  }
0x14f: {  	[tilespmem:s14], [sflag:$0x2] =	stream.indirect_vreg.gather [hbm4b:s5+s3], $0x80, v4, vm0, $0xb8;
	[tilespmem:$0x18200] =	vst v63  }
0x150: {  	s14 =	simm.s32 $0x16200  }
0x151: {  	[tilespmem:s14], [sflag:$0x2] =	stream.indirect_vreg.gather [hbm4b:s6+s3], $0x80, v4, vm0, $0xb8;
	[tilespmem:$0x18200] =	vst v63  }
0x152: {  	s14 =	simm.s32 $0x16A00  }
0x153: {  	[tilespmem:s14], [sflag:$0x2] =	stream.indirect_vreg.gather [hbm4b:s1+s3], $0x80, v3, vm0, $0xb8;
	[tilespmem:$0x18200] =	vst v63  }
0x154: {  	s14 =	simm.s32 $0x17200  }
0x155: {  	[tilespmem:s14], [sflag:$0x2] =	stream.indirect_vreg.gather [hbm4b:s5+s3], $0x80, v3, vm0, $0xb8;
	[tilespmem:$0x18200] =	vst v63  }
0x156: {  	s14 =	simm.s32 $0x17A00  }
0x157: {  	[tilespmem:s14], [sflag:$0x2] =	stream.indirect_vreg.gather [hbm4b:s6+s3], $0x80, v3, vm0, $0xb8;
	[tilespmem:$0x18200] =	vst v63  }
0x158: {  	_ =	swait.ge [sflag:s13], $0xC000  }
0x159: {  	[sflag:s13] =	ssyncset.done $0x0  }
0x15a: {  	s7 =	simm.s32 $0x200;
	s14 =	rddreg [dreg:$0x6];
	[sflag:s13] =	ssyncadd.s32 $0xFFFF4000  }
0x15b: {  	[hbm4b:s14+s3] =	stream.linear.scatter [tilespmem:s7], [sflag:$0x3], $0xC000, $0x38;
	[tilespmem:$0x18200] =	vst v63  }
0x15c: {  	_ =	swait.ge [sflag:s2], $0xC000  }
0x15d: {  	[sflag:s2] =	ssyncset.done $0x0  }
0x15e: {  	s7 =	rddreg [dreg:$0x7];
	[sflag:s2] =	ssyncadd.s32 $0xFFFF4000  }
0x15f: {  	[hbm4b:s7+s3] =	stream.linear.scatter [tilespmem:s12], [sflag:$0x4], $0xC000, $0x38;
	[tilespmem:$0x18200] =	vst v63  }
0x160: {  	p0 =	sne.s32 s8, $0x1;
	_ =	swait.ge [sflag:s0], $0xC000  }
.Ltmp0:
0x161: {  	[sflag:s0] =	ssyncset.done $0x0;
	(pc) =	sbr.rel @p0 .LBB2_1-.Ltmp0, $4  }
0x162: {  	[sflag:s0] =	ssyncadd.s32 $0xFFFF4000  }
0x163: {  	_ =	swait.ge [sflag:s4], $0xC000  }
0x164: {  	[sflag:s4] =	ssyncset.done $0x0  }
0x165: {  	s8 =	sadd.s32 $0xFFFFFFFF, s8;
	[sflag:s4] =	ssyncadd.s32 $0xFFFF4000  }
0x166: {  	_ =	sfence.sel $0x180000  }
0x167: {  	[bflag:$0x0] =	sbarrier.arrive $0xFFFF  }
0x168: {  	_ =	strace $0x90000047  }
0x169: {  	s0 =	stileid.u32;
	[bflag:$0x2] =	sbarrier.arrive $0xFFFF  }
0x16a: {  	p0 =	sne.s32 s0, $0x0;
	s0 =	rddreg [dreg:$0x3]  }
0x16b: {  	s0 =	sadd.s32 @!p0 $0x100000, s0  }
0x16c: {  	[sflag:s0] =	ssyncadd.tile.s32 @!p0 $0x1;
	_ =	shalt  }
.Lfunc_end2:
_tile_overlayer_lowered:
.L_overlay_start_2:
0x16d: {  	(tag) =	ssettag $0x2  }
0x16e: {  	s0 =	rddreg [dreg:$0x0];
	s2 =	stileid.u32  }
0x16f: {  	s1 =	rddreg [dreg:$0x1];
	p0 =	sne.s32 s2, $0x0  }
0x170: {  	s3 =	rddreg [dreg:$0x2];
	[bflag:$0x3] =	sbarrier.arrive $0xFFFF;
	s2 =	simm.s32 @!p0 $0x1C05  }
0x171: {  	[timem:s3], [sflag:s2] =	dma.local @!p0 [hbm:s0], s1  }
0x172: {  	s0 =	simm.s32 @!p0 $0x5  }
0x173: {  	_ =	swait.ge @!p0 [sflag:s0], s1  }
0x174: {  	s1 =	ssub.s32 @!p0 $0x0, s1;
	[sflag:s0] =	ssyncset.done @!p0 $0x0  }
0x175: {  	[sflag:s0] =	ssyncadd.s32 @!p0 s1  }
0x176: {  	[bflag:$0x3] =	sbarrier.arrive $0xFFFF  }
0x177: {  	_ =	shalt  }

</sc_bundles>
